<compile_context>
chip_gen: v7x
topology: tpu7x:2x2x1
jax: 0.10.2.dev20260603
libtpu: 0.0.44.dev20260713+nightly
codegen_flags: <defaults>
</compile_context>

<pallas_src>
import functools

import jax
import jax.numpy as jnp
from jax import lax
from jax.experimental import pallas as pl
from jax.experimental.pallas import tpu as pltpu
from jax.experimental.pallas import tpu_sc as plsc

_NC = 2
_NS = 16
_EB = 128
_DEGW = 16
_RB = 5120



def _sc_deg(np_total, num_chunks):
  rows_per_tile = np_total // _NS
  mesh = plsc.VectorSubcoreMesh(core_axis_name="c", subcore_axis_name="s")
  ntg = _NC * _NS
  maxc_s = num_chunks - (num_chunks * (ntg - 1)) // ntg

  scratch = [
      pltpu.VMEM((maxc_s, _EB), jnp.int32),
      pltpu.VMEM((_EB, _DEGW), jnp.float32),
      pltpu.VMEM((rows_per_tile, _DEGW), jnp.float32),
      pltpu.VMEM_SHARED((np_total, _DEGW), jnp.float32),
      pltpu.SemaphoreType.DMA,
      pltpu.SemaphoreType.DMA,
  ]

  nt = _NC * _NS
  maxc = num_chunks - (num_chunks * (nt - 1)) // nt

  def body(ei3, zrows, orows, out, dst_all, rows_v, stage_v, acc_sh,
           ssa, ssb):
    cid = lax.axis_index("c")
    sid = lax.axis_index("s")
    tid = cid * _NS + sid
    row0 = sid * rows_per_tile
    tile_rows = pl.ds(row0, rows_per_tile)
    start = (num_chunks * tid) // nt
    cnt = (num_chunks * (tid + 1)) // nt - start

    pltpu.sync_copy(zrows, stage_v)
    pltpu.sync_copy(stage_v, acc_sh.at[tile_rows])
    pltpu.sync_copy(orows, rows_v)
    pltpu.sync_copy(ei3.at[1, pl.ds(start, maxc)], dst_all)
    plsc.subcore_barrier()

    def scat(c, sem):
      pltpu.async_copy(rows_v, acc_sh.at[dst_all.at[c]], sem, add=True)

    def scat_wait(sem):
      pltpu.make_async_copy(rows_v, acc_sh.at[dst_all.at[0]], sem).wait()

    def pair(j, carry):
      c0 = 2 * j

      @pl.when(j > 0)
      def _():
        scat_wait(ssa)
      scat(c0, ssa)

      @pl.when(j > 0)
      def _():
        scat_wait(ssb)
      scat(c0 + 1, ssb)
      return carry

    lax.fori_loop(0, cnt // 2, pair, 0)

    @pl.when(cnt % 2 == 1)
    def _():
      scat_wait(ssa)
      scat(cnt - 1, ssa)
    scat_wait(ssa)
    scat_wait(ssb)
    plsc.subcore_barrier()

    pltpu.sync_copy(acc_sh.at[tile_rows], stage_v)
    pltpu.sync_copy(stage_v, out.at[cid, tile_rows])

  return pl.kernel(
      body,
      out_type=jax.ShapeDtypeStruct((_NC, np_total, _DEGW), jnp.float32),
      mesh=mesh,
      scratch_types=scratch,
      compiler_params=pltpu.CompilerParams(use_tc_tiling_on_sc=False),
  )


def _sc_agg(np_total, wh, num_chunks):
  mesh = plsc.VectorSubcoreMesh(core_axis_name="c", subcore_axis_name="s")

  maxc = num_chunks - (num_chunks * (_NS - 1)) // _NS

  scratch = [
      pltpu.VMEM((maxc, _EB), jnp.int32),
      pltpu.VMEM((maxc, _EB), jnp.int32),
      pltpu.VMEM((_EB, wh), jnp.float32),
      pltpu.VMEM((_EB, wh), jnp.float32),
      pltpu.VMEM_SHARED((np_total, wh), jnp.float32),
      pltpu.VMEM_SHARED((np_total, wh), jnp.float32),
      pltpu.SemaphoreType.DMA,
      pltpu.SemaphoreType.DMA,
      pltpu.SemaphoreType.DMA,
      pltpu.SemaphoreType.DMA,
  ]

  def body(table, ei3, zacc, out,
           src_all, dst_all, rows_a, rows_b, table_sh, acc_sh,
           gsa, gsb, ssa, ssb):
    cid = lax.axis_index("c")
    sid = lax.axis_index("s")
    cols = pl.ds(cid * wh, wh)
    start = (num_chunks * sid) // _NS
    cnt = (num_chunks * (sid + 1)) // _NS - start

    @pl.when(sid == 0)
    def _():
      pltpu.sync_copy(zacc, acc_sh)
      pltpu.sync_copy(table.at[:, cols], table_sh)

    pltpu.sync_copy(ei3.at[0, pl.ds(start, maxc)], src_all)
    pltpu.sync_copy(ei3.at[1, pl.ds(start, maxc)], dst_all)
    plsc.subcore_barrier()

    def gath(c, rows, sem):
      pltpu.async_copy(table_sh.at[src_all.at[c]], rows, sem)

    def gath_wait(rows, sem):
      pltpu.make_async_copy(table_sh.at[src_all.at[0]], rows, sem).wait()

    def scat(c, rows, sem):
      pltpu.async_copy(rows, acc_sh.at[dst_all.at[c]], sem, add=True)

    def scat_wait(rows, sem):
      pltpu.make_async_copy(rows, acc_sh.at[dst_all.at[0]], sem).wait()

    def pair(j, carry):
      c0 = 2 * j
      c1 = c0 + 1

      @pl.when(j > 0)
      def _():
        scat_wait(rows_a, ssa)
      gath(c0, rows_a, gsa)

      @pl.when(j > 0)
      def _():
        scat_wait(rows_b, ssb)
      gath(c1, rows_b, gsb)

      gath_wait(rows_a, gsa)
      scat(c0, rows_a, ssa)
      gath_wait(rows_b, gsb)
      scat(c1, rows_b, ssb)
      return carry

    lax.fori_loop(0, cnt // 2, pair, 0)

    @pl.when(cnt % 2 == 1)
    def _():
      scat_wait(rows_a, ssa)
      gath(cnt - 1, rows_a, gsa)
      gath_wait(rows_a, gsa)
      scat(cnt - 1, rows_a, ssa)
    scat_wait(rows_a, ssa)
    scat_wait(rows_b, ssb)
    plsc.subcore_barrier()

    @pl.when(sid == 0)
    def _():
      pltpu.sync_copy(acc_sh, out.at[:, cols])

  return pl.kernel(
      body,
      out_type=jax.ShapeDtypeStruct((np_total, 2 * wh), jnp.float32),
      mesh=mesh,
      scratch_types=scratch,
      compiler_params=pltpu.CompilerParams(use_tc_tiling_on_sc=False),
  )



def _dinv_block(degp_ref):
  deg = degp_ref[0, :, :1] + degp_ref[1, :, :1] + 1.0
  return lax.rsqrt(deg)


def _tc1_body(n_real, degp_ref, x_ref, w_ref, out_ref, dinv_ref):
  i = pl.program_id(0)
  rb = out_ref.shape[0]
  dinv = _dinv_block(degp_ref)
  hm = jnp.dot(x_ref[...], w_ref[...], preferred_element_type=jnp.float32)
  rows = i * rb + lax.broadcasted_iota(jnp.int32, (rb, 1), 0)
  out_ref[...] = jnp.where(rows < n_real, hm * dinv, 0.0)
  dinv_ref[...] = jnp.broadcast_to(dinv, out_ref.shape)


def _tc2_body(n_real, dinv_ref, agg_ref, h1s_ref, w_ref, b_ref, out_ref):
  i = pl.program_id(0)
  rb = out_ref.shape[0]
  dinv = dinv_ref[...]
  a = agg_ref[...] + h1s_ref[...]
  hh = jnp.maximum(a * dinv + b_ref[...], 0.0)
  rows = i * rb + lax.broadcasted_iota(jnp.int32, (rb, 1), 0)
  hh = jnp.where(rows < n_real, hh, 0.0)
  out_ref[...] = jnp.dot(hh, w_ref[...], preferred_element_type=jnp.float32) * dinv


def _tc3_body(n_real, ng, dinv_ref, agg_ref, h2s_ref, b2_ref,
              fc1w_ref, fc1b_ref, fc2w_ref, fc2b_ref, out_ref, acc_ref):
  i = pl.program_id(0)
  dinv = dinv_ref[...]
  a = agg_ref[...] + h2s_ref[...]
  hh = jnp.maximum(a * dinv + b2_ref[...], 0.0)
  rb = h2s_ref.shape[0]
  rows = i * rb + lax.broadcasted_iota(jnp.int32, (rb, 1), 0)
  hh = jnp.where(rows < n_real, hh, 0.0)
  part = jnp.sum(hh, axis=0, keepdims=True)

  @pl.when(i == 0)
  def _():
    acc_ref[...] = part

  @pl.when(i > 0)
  def _():
    acc_ref[...] = acc_ref[...] + part

  @pl.when(i == ng - 1)
  def _():
    g = acc_ref[...] * (1.0 / n_real)
    g1 = jnp.maximum(
        jnp.dot(g, fc1w_ref[...], preferred_element_type=jnp.float32)
        + fc1b_ref[...], 0.0)
    logits = (jnp.dot(g1, fc2w_ref[...], preferred_element_type=jnp.float32)
              + fc2b_ref[...])
    out_ref[...] = 1.0 / (1.0 + jnp.exp(-logits))



def kernel(x, edge_index, W1, b1, W2, b2, fc1_w, fc1_b, fc2_w, fc2_b):
  n, d = x.shape
  h = W1.shape[1]
  o = fc2_w.shape[1]
  e = edge_index.shape[1]
  wh = h // 2

  np_total = ((n + 1 + _RB - 1) // _RB) * _RB
  rows_per_tile = np_total // _NS
  ng = np_total // _RB
  nt = _NC * _NS

  ec = (e + _EB - 1) // _EB
  ei = edge_index.astype(jnp.int32)
  if ec * _EB != e:
    ei = jnp.concatenate(
        [ei, jnp.full((2, ec * _EB - e), n, dtype=jnp.int32)], axis=1)
  ei3 = ei.reshape(2, ec, _EB)

  zrows_d = jnp.zeros((rows_per_tile, _DEGW), jnp.float32)
  ones_rows = jnp.ones((_EB, _DEGW), jnp.float32)
  zacc = jnp.zeros((np_total, wh), jnp.float32)

  deg_fn = _sc_deg(np_total, ec)
  agg_fn = _sc_agg(np_total, wh, ec)

  degp = deg_fn(ei3, zrows_d, ones_rows)

  h1s, dinv_b = pl.pallas_call(
      functools.partial(_tc1_body, n),
      grid=(ng,),
      in_specs=[
          pl.BlockSpec((_NC, _RB, _DEGW), lambda i: (0, i, 0)),
          pl.BlockSpec((_RB, d), lambda i: (i, 0)),
          pl.BlockSpec((d, h), lambda i: (0, 0)),
      ],
      out_specs=[
          pl.BlockSpec((_RB, h), lambda i: (i, 0)),
          pl.BlockSpec((_RB, h), lambda i: (i, 0)),
      ],
      out_shape=[
          jax.ShapeDtypeStruct((np_total, h), jnp.float32),
          jax.ShapeDtypeStruct((np_total, h), jnp.float32),
      ],
  )(degp, x, W1)

  agg1 = agg_fn(h1s, ei3, zacc)

  h2s = pl.pallas_call(
      functools.partial(_tc2_body, n),
      grid=(ng,),
      in_specs=[
          pl.BlockSpec((_RB, h), lambda i: (i, 0)),
          pl.BlockSpec((_RB, h), lambda i: (i, 0)),
          pl.BlockSpec((_RB, h), lambda i: (i, 0)),
          pl.BlockSpec((h, h), lambda i: (0, 0)),
          pl.BlockSpec((1, h), lambda i: (0, 0)),
      ],
      out_specs=pl.BlockSpec((_RB, h), lambda i: (i, 0)),
      out_shape=jax.ShapeDtypeStruct((np_total, h), jnp.float32),
  )(dinv_b, agg1, h1s, W2, b1.reshape(1, h))

  agg2 = agg_fn(h2s, ei3, zacc)

  out = pl.pallas_call(
      functools.partial(_tc3_body, n, ng),
      grid=(ng,),
      in_specs=[
          pl.BlockSpec((_RB, h), lambda i: (i, 0)),
          pl.BlockSpec((_RB, h), lambda i: (i, 0)),
          pl.BlockSpec((_RB, h), lambda i: (i, 0)),
          pl.BlockSpec((1, h), lambda i: (0, 0)),
          pl.BlockSpec((h, h), lambda i: (0, 0)),
          pl.BlockSpec((1, h), lambda i: (0, 0)),
          pl.BlockSpec((h, o), lambda i: (0, 0)),
          pl.BlockSpec((1, o), lambda i: (0, 0)),
      ],
      out_specs=pl.BlockSpec((1, o), lambda i: (0, 0)),
      out_shape=jax.ShapeDtypeStruct((1, o), jnp.float32),
      scratch_shapes=[pltpu.VMEM((1, h), jnp.float32)],
  )(dinv_b, agg2, h2s, b2.reshape(1, h), fc1_w, fc1_b.reshape(1, h),
    fc2_w, fc2_b.reshape(1, o))

  return out.reshape(o)

# --- scband reference (transcript-rebuilt; emitter-appended) ---
"""Pipeline reference for scband-protein-gnn-13726715478760 (READ-ONLY COPY).

The authoritative reference and input builder live on the scoring server;
editing this copy changes nothing except your own understanding.
"""

import jax, jax.numpy as jnp
import numpy as np

N = 10000
E = 320000
D = 128
H = 64
O = 128


def setup_inputs(seed: int = 0) -> dict:
    key = jax.random.key(seed)
    ks = jax.random.split(key, 10)
    x = jax.random.normal(ks[0], (N, D), dtype=jnp.float32)
    edge_index = jax.random.randint(ks[1], (2, E), 0, N)
    W1 = jax.random.normal(ks[2], (D, H), dtype=jnp.float32) * (1.0 / np.sqrt(D))
    b1 = jnp.zeros((H,), dtype=jnp.float32)
    W2 = jax.random.normal(ks[3], (H, H), dtype=jnp.float32) * (1.0 / np.sqrt(H))
    b2 = jnp.zeros((H,), dtype=jnp.float32)
    fc1_w = jax.random.normal(ks[4], (H, H), dtype=jnp.float32) * (1.0 / np.sqrt(H))
    fc1_b = jnp.zeros((H,), dtype=jnp.float32)
    fc2_w = jax.random.normal(ks[5], (H, O), dtype=jnp.float32) * (1.0 / np.sqrt(H))
    fc2_b = jnp.zeros((O,), dtype=jnp.float32)
    return {
        "x": x,
        "edge_index": edge_index,
        "W1": W1, "b1": b1,
        "W2": W2, "b2": b2,
        "fc1_w": fc1_w, "fc1_b": fc1_b,
        "fc2_w": fc2_w, "fc2_b": fc2_b,
    }


def _gcn_conv(x, edge_index, W, b):
    n = x.shape[0]
    src = edge_index[0]
    dst = edge_index[1]
    # add self-loops (PyG GCNConv default)
    loop = jnp.arange(n, dtype=src.dtype)
    src = jnp.concatenate([src, loop])
    dst = jnp.concatenate([dst, loop])
    # symmetric normalization deg^{-1/2} (computed on in-degree incl. self loops)
    deg = jax.ops.segment_sum(jnp.ones(dst.shape[0], dtype=x.dtype), dst, num_segments=n)
    dinv = jnp.where(deg > 0, deg ** -0.5, 0.0)
    norm = dinv[src] * dinv[dst]
    h = x @ W
    msgs = h[src] * norm[:, None]
    out = jax.ops.segment_sum(msgs, dst, num_segments=n)
    return out + b


def reference(x, edge_index, W1, b1, W2, b2, fc1_w, fc1_b, fc2_w, fc2_b):
    h = jax.nn.relu(_gcn_conv(x, edge_index, W1, b1))
    h = jax.nn.relu(_gcn_conv(h, edge_index, W2, b2))
    g = jnp.mean(h, axis=0)
    g = jax.nn.relu(g @ fc1_w + fc1_b)
    out = jax.nn.sigmoid(g @ fc2_w + fc2_b)
    return out

if __name__ == "__main__":
    import jax
    _d = setup_inputs()
    print(jax.jit(kernel)(*tuple(_d.values())))

</pallas_src>

<mosaic_0001>
#map = affine_map<(d0, d1) -> (0, 0)>
#map1 = affine_map<(d0, d1) -> (0, 0, 0)>
module attributes {stable_mosaic.version = 14 : i64} {
  func.func @body(%arg0: i32, %arg1: i32, %arg2: memref<10240x64xf32, #tpu.memory_space<hbm>>, %arg3: memref<2x2500x128xi32, #tpu.memory_space<hbm>>, %arg4: memref<10240x32xf32, #tpu.memory_space<hbm>>, %arg5: memref<10240x64xf32, #tpu.memory_space<hbm>>, %arg6: memref<157x128xi32, #tpu.memory_space<vmem>>, %arg7: memref<157x128xi32, #tpu.memory_space<vmem>>, %arg8: memref<128x32xf32, #tpu.memory_space<vmem>>, %arg9: memref<128x32xf32, #tpu.memory_space<vmem>>, %arg10: memref<10240x32xf32, #tpu.memory_space<vmem_shared>>, %arg11: memref<10240x32xf32, #tpu.memory_space<vmem_shared>>, %arg12: memref<!tpu.dma_semaphore, #tpu.memory_space<semaphore_mem>>, %arg13: memref<!tpu.dma_semaphore, #tpu.memory_space<semaphore_mem>>, %arg14: memref<!tpu.dma_semaphore, #tpu.memory_space<semaphore_mem>>, %arg15: memref<!tpu.dma_semaphore, #tpu.memory_space<semaphore_mem>>) attributes {dimension_semantics = [#tpu.dimension_semantics<core_parallel>, #tpu.dimension_semantics<subcore_parallel>], iteration_bounds = array<i64: 2, 16>, scalar_prefetch = 0 : i64, scratch_operands = 10 : i64, tpu.core_type = #tpu.core_type<sc_vector_subcore>, window_params = [{transform_indices = #map}, {transform_indices = #map1}, {transform_indices = #map}, {transform_indices = #map}]} {
    %mul3A = arith.constant 32 : i32
    %mul3A_0 = arith.muli %arg0, %mul3A : i32
    %mul3A_1 = arith.constant 2500 : i32
    %mul3A_2 = arith.muli %mul3A_1, %arg1 : i32
    %jit3A = arith.constant 16 : i32
    %div3A = arith.divsi %mul3A_2, %jit3A : i32
    %sign3A = arith.constant 0 : i32
    %sign3A_3 = arith.cmpi sgt, %mul3A_2, %sign3A : i32
    %sign3A_4 = arith.extui %sign3A_3 : i1 to i32
    %sign3A_5 = arith.constant 0 : i32
    %sign3A_6 = arith.cmpi slt, %mul3A_2, %sign3A_5 : i32
    %sign3A_7 = arith.extui %sign3A_6 : i1 to i32
    %sign3A_8 = arith.subi %sign3A_4, %sign3A_7 : i32
    %sign3A_9 = arith.constant 0 : i32
    %sign3A_10 = arith.cmpi sgt, %jit3A, %sign3A_9 : i32
    %sign3A_11 = arith.extui %sign3A_10 : i1 to i32
    %sign3A_12 = arith.constant 0 : i32
    %sign3A_13 = arith.cmpi slt, %jit3A, %sign3A_12 : i32
    %sign3A_14 = arith.extui %sign3A_13 : i1 to i32
    %sign3A_15 = arith.subi %sign3A_11, %sign3A_14 : i32
    %ne3A = arith.cmpi ne, %sign3A_8, %sign3A_15 : i32
    %rem3A = arith.remsi %mul3A_2, %jit3A : i32
    %ne3A_16 = arith.constant 0 : i32
    %ne3A_17 = arith.cmpi ne, %rem3A, %ne3A_16 : i32
    %and3A = arith.andi %ne3A, %ne3A_17 : i1
    %sub3A = arith.constant 1 : i32
    %sub3A_18 = arith.subi %div3A, %sub3A : i32
    %select_n3A = arith.select %and3A, %sub3A_18, %div3A : i32
    %add3A = arith.constant 1 : i32
    %add3A_19 = arith.addi %arg1, %add3A : i32
    %mul3A_20 = arith.constant 2500 : i32
    %mul3A_21 = arith.muli %mul3A_20, %add3A_19 : i32
    %jit3A_22 = arith.constant 16 : i32
    %div3A_23 = arith.divsi %mul3A_21, %jit3A_22 : i32
    %sign3A_24 = arith.constant 0 : i32
    %sign3A_25 = arith.cmpi sgt, %mul3A_21, %sign3A_24 : i32
    %sign3A_26 = arith.extui %sign3A_25 : i1 to i32
    %sign3A_27 = arith.constant 0 : i32
    %sign3A_28 = arith.cmpi slt, %mul3A_21, %sign3A_27 : i32
    %sign3A_29 = arith.extui %sign3A_28 : i1 to i32
    %sign3A_30 = arith.subi %sign3A_26, %sign3A_29 : i32
    %sign3A_31 = arith.constant 0 : i32
    %sign3A_32 = arith.cmpi sgt, %jit3A_22, %sign3A_31 : i32
    %sign3A_33 = arith.extui %sign3A_32 : i1 to i32
    %sign3A_34 = arith.constant 0 : i32
    %sign3A_35 = arith.cmpi slt, %jit3A_22, %sign3A_34 : i32
    %sign3A_36 = arith.extui %sign3A_35 : i1 to i32
    %sign3A_37 = arith.subi %sign3A_33, %sign3A_36 : i32
    %ne3A_38 = arith.cmpi ne, %sign3A_30, %sign3A_37 : i32
    %rem3A_39 = arith.remsi %mul3A_21, %jit3A_22 : i32
    %ne3A_40 = arith.constant 0 : i32
    %ne3A_41 = arith.cmpi ne, %rem3A_39, %ne3A_40 : i32
    %and3A_42 = arith.andi %ne3A_38, %ne3A_41 : i1
    %sub3A_43 = arith.constant 1 : i32
    %sub3A_44 = arith.subi %div3A_23, %sub3A_43 : i32
    %select_n3A_45 = arith.select %and3A_42, %sub3A_44, %div3A_23 : i32
    %sub3A_46 = arith.subi %select_n3A_45, %select_n3A : i32
    %eq3A = arith.constant 0 : i32
    %eq3A_47 = arith.cmpi eq, %arg1, %eq3A : i32
    %convert_element_type3A = arith.extui %eq3A_47 : i1 to i32
    %cond3A = arith.constant 0 : i32
    %cond3A_48 = arith.cmpi ne, %convert_element_type3A, %cond3A : i32
    scf.if %cond3A_48 {
      "tpu.region"() ({
        %run_scoped3A_122 = tpu.sem_alloc : memref<!tpu.dma_semaphore, #tpu.memory_space<semaphore_mem>>
        tpu.enqueue_dma source(%arg4 : memref<10240x32xf32, #tpu.memory_space<hbm>>) target(%arg11 : memref<10240x32xf32, #tpu.memory_space<vmem_shared>>) target_semaphore(%run_scoped3A_122 : memref<!tpu.dma_semaphore, #tpu.memory_space<semaphore_mem>>)
        tpu.wait_dma2 semaphore(%run_scoped3A_122 : memref<!tpu.dma_semaphore, #tpu.memory_space<semaphore_mem>>) src(%arg4 : memref<10240x32xf32, #tpu.memory_space<hbm>>) dst(%arg11 : memref<10240x32xf32, #tpu.memory_space<vmem_shared>>)
        tpu.yield
      }) : () -> ()
      "tpu.region"() ({
        %run_scoped3A_122 = tpu.sem_alloc : memref<!tpu.dma_semaphore, #tpu.memory_space<semaphore_mem>>
        %dma_start3A = arith.constant 0 : i32
        %dma_start3A_123 = tpu.memref_slice %arg2[%dma_start3A, %mul3A_0] : memref<10240x64xf32, #tpu.memory_space<hbm>> -> memref<10240x32xf32, #tpu.memory_space<hbm>>
        tpu.enqueue_dma source(%dma_start3A_123 : memref<10240x32xf32, #tpu.memory_space<hbm>>) target(%arg10 : memref<10240x32xf32, #tpu.memory_space<vmem_shared>>) target_semaphore(%run_scoped3A_122 : memref<!tpu.dma_semaphore, #tpu.memory_space<semaphore_mem>>)
        %dma_wait3A_124 = arith.constant 0 : i32
        %dma_wait3A_125 = tpu.memref_slice %arg2[%dma_wait3A_124, %mul3A_0] : memref<10240x64xf32, #tpu.memory_space<hbm>> -> memref<10240x32xf32, #tpu.memory_space<hbm>>
        tpu.wait_dma2 semaphore(%run_scoped3A_122 : memref<!tpu.dma_semaphore, #tpu.memory_space<semaphore_mem>>) src(%dma_wait3A_125 : memref<10240x32xf32, #tpu.memory_space<hbm>>) dst(%arg10 : memref<10240x32xf32, #tpu.memory_space<vmem_shared>>)
        tpu.yield
      }) : () -> ()
    } else {
    }
    %run_scoped3A = arith.constant 0 : i32
    "tpu.region"() ({
      %run_scoped3A_122 = tpu.sem_alloc : memref<!tpu.dma_semaphore, #tpu.memory_space<semaphore_mem>>
      %dma_start3A = arith.constant 0 : i32
      %dma_start3A_123 = tpu.memref_slice %arg3[%run_scoped3A, %select_n3A, %dma_start3A] : memref<2x2500x128xi32, #tpu.memory_space<hbm>> -> memref<1x157x128xi32, #tpu.memory_space<hbm>>
      %dma_start3A_124 = tpu.memref_squeeze %dma_start3A_123 : memref<1x157x128xi32, #tpu.memory_space<hbm>> -> memref<157x128xi32, #tpu.memory_space<hbm>>
      %dma_start3A_125 = arith.constant 0 : i32
      %dma_start3A_126 = tpu.memref_slice %arg3[%run_scoped3A, %select_n3A, %dma_start3A_125] : memref<2x2500x128xi32, #tpu.memory_space<hbm>> -> memref<1x157x128xi32, #tpu.memory_space<hbm>>
      %dma_start3A_127 = tpu.memref_squeeze %dma_start3A_126 : memref<1x157x128xi32, #tpu.memory_space<hbm>> -> memref<157x128xi32, #tpu.memory_space<hbm>>
      tpu.enqueue_dma source(%dma_start3A_127 : memref<157x128xi32, #tpu.memory_space<hbm>>) target(%arg6 : memref<157x128xi32, #tpu.memory_space<vmem>>) target_semaphore(%run_scoped3A_122 : memref<!tpu.dma_semaphore, #tpu.memory_space<semaphore_mem>>)
      %dma_wait3A_128 = arith.constant 0 : i32
      %dma_wait3A_129 = tpu.memref_slice %arg3[%run_scoped3A, %select_n3A, %dma_wait3A_128] : memref<2x2500x128xi32, #tpu.memory_space<hbm>> -> memref<1x157x128xi32, #tpu.memory_space<hbm>>
      %dma_wait3A_130 = tpu.memref_squeeze %dma_wait3A_129 : memref<1x157x128xi32, #tpu.memory_space<hbm>> -> memref<157x128xi32, #tpu.memory_space<hbm>>
      %dma_wait3A_131 = arith.constant 0 : i32
      %dma_wait3A_132 = tpu.memref_slice %arg3[%run_scoped3A, %select_n3A, %dma_wait3A_131] : memref<2x2500x128xi32, #tpu.memory_space<hbm>> -> memref<1x157x128xi32, #tpu.memory_space<hbm>>
      %dma_wait3A_133 = tpu.memref_squeeze %dma_wait3A_132 : memref<1x157x128xi32, #tpu.memory_space<hbm>> -> memref<157x128xi32, #tpu.memory_space<hbm>>
      tpu.wait_dma2 semaphore(%run_scoped3A_122 : memref<!tpu.dma_semaphore, #tpu.memory_space<semaphore_mem>>) src(%dma_wait3A_133 : memref<157x128xi32, #tpu.memory_space<hbm>>) dst(%arg6 : memref<157x128xi32, #tpu.memory_space<vmem>>)
      tpu.yield
    }) : () -> ()
    %run_scoped3A_49 = arith.constant 1 : i32
    "tpu.region"() ({
      %run_scoped3A_122 = tpu.sem_alloc : memref<!tpu.dma_semaphore, #tpu.memory_space<semaphore_mem>>
      %dma_start3A = arith.constant 0 : i32
      %dma_start3A_123 = tpu.memref_slice %arg3[%run_scoped3A_49, %select_n3A, %dma_start3A] : memref<2x2500x128xi32, #tpu.memory_space<hbm>> -> memref<1x157x128xi32, #tpu.memory_space<hbm>>
      %dma_start3A_124 = tpu.memref_squeeze %dma_start3A_123 : memref<1x157x128xi32, #tpu.memory_space<hbm>> -> memref<157x128xi32, #tpu.memory_space<hbm>>
      %dma_start3A_125 = arith.constant 0 : i32
      %dma_start3A_126 = tpu.memref_slice %arg3[%run_scoped3A_49, %select_n3A, %dma_start3A_125] : memref<2x2500x128xi32, #tpu.memory_space<hbm>> -> memref<1x157x128xi32, #tpu.memory_space<hbm>>
      %dma_start3A_127 = tpu.memref_squeeze %dma_start3A_126 : memref<1x157x128xi32, #tpu.memory_space<hbm>> -> memref<157x128xi32, #tpu.memory_space<hbm>>
      tpu.enqueue_dma source(%dma_start3A_127 : memref<157x128xi32, #tpu.memory_space<hbm>>) target(%arg7 : memref<157x128xi32, #tpu.memory_space<vmem>>) target_semaphore(%run_scoped3A_122 : memref<!tpu.dma_semaphore, #tpu.memory_space<semaphore_mem>>)
      %dma_wait3A_128 = arith.constant 0 : i32
      %dma_wait3A_129 = tpu.memref_slice %arg3[%run_scoped3A_49, %select_n3A, %dma_wait3A_128] : memref<2x2500x128xi32, #tpu.memory_space<hbm>> -> memref<1x157x128xi32, #tpu.memory_space<hbm>>
      %dma_wait3A_130 = tpu.memref_squeeze %dma_wait3A_129 : memref<1x157x128xi32, #tpu.memory_space<hbm>> -> memref<157x128xi32, #tpu.memory_space<hbm>>
      %dma_wait3A_131 = arith.constant 0 : i32
      %dma_wait3A_132 = tpu.memref_slice %arg3[%run_scoped3A_49, %select_n3A, %dma_wait3A_131] : memref<2x2500x128xi32, #tpu.memory_space<hbm>> -> memref<1x157x128xi32, #tpu.memory_space<hbm>>
      %dma_wait3A_133 = tpu.memref_squeeze %dma_wait3A_132 : memref<1x157x128xi32, #tpu.memory_space<hbm>> -> memref<157x128xi32, #tpu.memory_space<hbm>>
      tpu.wait_dma2 semaphore(%run_scoped3A_122 : memref<!tpu.dma_semaphore, #tpu.memory_space<semaphore_mem>>) src(%dma_wait3A_133 : memref<157x128xi32, #tpu.memory_space<hbm>>) dst(%arg7 : memref<157x128xi32, #tpu.memory_space<vmem>>)
      tpu.yield
    }) : () -> ()
    %barrier3A = arith.constant 0 : index
    tpu.barrier barrier_id(%barrier3A)
    %jit3A_50 = arith.constant 2 : i32
    %div3A_51 = arith.divsi %sub3A_46, %jit3A_50 : i32
    %sign3A_52 = arith.constant 0 : i32
    %sign3A_53 = arith.cmpi sgt, %sub3A_46, %sign3A_52 : i32
    %sign3A_54 = arith.extui %sign3A_53 : i1 to i32
    %sign3A_55 = arith.constant 0 : i32
    %sign3A_56 = arith.cmpi slt, %sub3A_46, %sign3A_55 : i32
    %sign3A_57 = arith.extui %sign3A_56 : i1 to i32
    %sign3A_58 = arith.subi %sign3A_54, %sign3A_57 : i32
    %sign3A_59 = arith.constant 0 : i32
    %sign3A_60 = arith.cmpi sgt, %jit3A_50, %sign3A_59 : i32
    %sign3A_61 = arith.extui %sign3A_60 : i1 to i32
    %sign3A_62 = arith.constant 0 : i32
    %sign3A_63 = arith.cmpi slt, %jit3A_50, %sign3A_62 : i32
    %sign3A_64 = arith.extui %sign3A_63 : i1 to i32
    %sign3A_65 = arith.subi %sign3A_61, %sign3A_64 : i32
    %ne3A_66 = arith.cmpi ne, %sign3A_58, %sign3A_65 : i32
    %rem3A_67 = arith.remsi %sub3A_46, %jit3A_50 : i32
    %ne3A_68 = arith.constant 0 : i32
    %ne3A_69 = arith.cmpi ne, %rem3A_67, %ne3A_68 : i32
    %and3A_70 = arith.andi %ne3A_66, %ne3A_69 : i1
    %sub3A_71 = arith.constant 1 : i32
    %sub3A_72 = arith.subi %div3A_51, %sub3A_71 : i32
    %select_n3A_73 = arith.select %and3A_70, %sub3A_72, %div3A_51 : i32
    %while3A = arith.constant 0 : i32
    %while3A_74 = arith.constant 0 : i32
    %while3A_75 = arith.subi %select_n3A_73, %while3A_74 : i32
    %while3A_76 = arith.addi %while3A_74, %while3A_75 : i32
    %while3A_77 = arith.constant 1 : i32
    %while3A_78 = arith.divsi %while3A_75, %while3A_77 : i32
    %while3A_79 = arith.muli %while3A_78, %while3A_77 : i32
    %while3A_80 = arith.addi %while3A_74, %while3A_79 : i32
    %while3A_81 = arith.constant 1 : i32
    scf.for %while3A_122 = %while3A_74 to %while3A_80 step %while3A_81  : i32 {
      %mul3A_123 = arith.constant 2 : i32
      %mul3A_124 = arith.muli %mul3A_123, %while3A_122 : i32
      %add3A_125 = arith.constant 1 : i32
      %add3A_126 = arith.addi %mul3A_124, %add3A_125 : i32
      %gt3A = arith.constant 0 : i32
      %gt3A_127 = arith.cmpi sgt, %while3A_122, %gt3A : i32
      %convert_element_type3A_128 = arith.extui %gt3A_127 : i1 to i32
      %cond3A_129 = arith.constant 0 : i32
      %cond3A_130 = arith.cmpi ne, %convert_element_type3A_128, %cond3A_129 : i32
      scf.if %cond3A_130 {
        %dma_wait3A_173 = arith.constant 0 : i32
        %dma_wait3A_174 = arith.constant 0 : i32
        %dma_wait3A_175 = tpu.memref_slice %arg7[%dma_wait3A_173, %dma_wait3A_174] : memref<157x128xi32, #tpu.memory_space<vmem>> -> memref<1x128xi32, #tpu.memory_space<vmem>>
        %dma_wait3A_176 = tpu.memref_squeeze %dma_wait3A_175 : memref<1x128xi32, #tpu.memory_space<vmem>> -> memref<128xi32, #tpu.memory_space<vmem>>
        %dma_wait3A_177 = arith.constant 0 : i32
        %dma_wait3A_178 = arith.constant 0 : i32
        %dma_wait3A_179 = tpu.memref_slice %arg11[%dma_wait3A_177, %dma_wait3A_178] : memref<10240x32xf32, #tpu.memory_space<vmem_shared>> -> memref<10240x32xf32, #tpu.memory_space<vmem_shared>>
        tpu.wait_indirect_dma semaphore(%arg14 : memref<!tpu.dma_semaphore, #tpu.memory_space<semaphore_mem>>) src(%arg8 : memref<128x32xf32, #tpu.memory_space<vmem>>) dst(%dma_wait3A_179 : memref<10240x32xf32, #tpu.memory_space<vmem_shared>>)
      } else {
      }
      %dma_start3A = arith.constant 0 : i32
      %dma_start3A_131 = tpu.memref_slice %arg6[%mul3A_124, %dma_start3A] : memref<157x128xi32, #tpu.memory_space<vmem>> -> memref<1x128xi32, #tpu.memory_space<vmem>>
      %dma_start3A_132 = tpu.memref_squeeze %dma_start3A_131 : memref<1x128xi32, #tpu.memory_space<vmem>> -> memref<128xi32, #tpu.memory_space<vmem>>
      %dma_start3A_133 = arith.constant 0 : i32
      %dma_start3A_134 = arith.constant 0 : i32
      %dma_start3A_135 = tpu.memref_slice %arg10[%dma_start3A_133, %dma_start3A_134] : memref<10240x32xf32, #tpu.memory_space<vmem_shared>> -> memref<10240x32xf32, #tpu.memory_space<vmem_shared>>
      tpu.enqueue_indirect_dma source(%dma_start3A_135 : memref<10240x32xf32, #tpu.memory_space<vmem_shared>>) target(%arg8 : memref<128x32xf32, #tpu.memory_space<vmem>>) offsets(%dma_start3A_132 : memref<128xi32, #tpu.memory_space<vmem>>) semaphore(%arg12 : memref<!tpu.dma_semaphore, #tpu.memory_space<semaphore_mem>>)
      %gt3A_136 = arith.constant 0 : i32
      %gt3A_137 = arith.cmpi sgt, %while3A_122, %gt3A_136 : i32
      %convert_element_type3A_138 = arith.extui %gt3A_137 : i1 to i32
      %cond3A_139 = arith.constant 0 : i32
      %cond3A_140 = arith.cmpi ne, %convert_element_type3A_138, %cond3A_139 : i32
      scf.if %cond3A_140 {
        %dma_wait3A_173 = arith.constant 0 : i32
        %dma_wait3A_174 = arith.constant 0 : i32
        %dma_wait3A_175 = tpu.memref_slice %arg7[%dma_wait3A_173, %dma_wait3A_174] : memref<157x128xi32, #tpu.memory_space<vmem>> -> memref<1x128xi32, #tpu.memory_space<vmem>>
        %dma_wait3A_176 = tpu.memref_squeeze %dma_wait3A_175 : memref<1x128xi32, #tpu.memory_space<vmem>> -> memref<128xi32, #tpu.memory_space<vmem>>
        %dma_wait3A_177 = arith.constant 0 : i32
        %dma_wait3A_178 = arith.constant 0 : i32
        %dma_wait3A_179 = tpu.memref_slice %arg11[%dma_wait3A_177, %dma_wait3A_178] : memref<10240x32xf32, #tpu.memory_space<vmem_shared>> -> memref<10240x32xf32, #tpu.memory_space<vmem_shared>>
        tpu.wait_indirect_dma semaphore(%arg15 : memref<!tpu.dma_semaphore, #tpu.memory_space<semaphore_mem>>) src(%arg9 : memref<128x32xf32, #tpu.memory_space<vmem>>) dst(%dma_wait3A_179 : memref<10240x32xf32, #tpu.memory_space<vmem_shared>>)
      } else {
      }
      %dma_start3A_141 = arith.constant 0 : i32
      %dma_start3A_142 = tpu.memref_slice %arg6[%add3A_126, %dma_start3A_141] : memref<157x128xi32, #tpu.memory_space<vmem>> -> memref<1x128xi32, #tpu.memory_space<vmem>>
      %dma_start3A_143 = tpu.memref_squeeze %dma_start3A_142 : memref<1x128xi32, #tpu.memory_space<vmem>> -> memref<128xi32, #tpu.memory_space<vmem>>
      %dma_start3A_144 = arith.constant 0 : i32
      %dma_start3A_145 = arith.constant 0 : i32
      %dma_start3A_146 = tpu.memref_slice %arg10[%dma_start3A_144, %dma_start3A_145] : memref<10240x32xf32, #tpu.memory_space<vmem_shared>> -> memref<10240x32xf32, #tpu.memory_space<vmem_shared>>
      tpu.enqueue_indirect_dma source(%dma_start3A_146 : memref<10240x32xf32, #tpu.memory_space<vmem_shared>>) target(%arg9 : memref<128x32xf32, #tpu.memory_space<vmem>>) offsets(%dma_start3A_143 : memref<128xi32, #tpu.memory_space<vmem>>) semaphore(%arg13 : memref<!tpu.dma_semaphore, #tpu.memory_space<semaphore_mem>>)
      %dma_wait3A_147 = arith.constant 0 : i32
      %dma_wait3A_148 = arith.constant 0 : i32
      %dma_wait3A_149 = tpu.memref_slice %arg6[%dma_wait3A_147, %dma_wait3A_148] : memref<157x128xi32, #tpu.memory_space<vmem>> -> memref<1x128xi32, #tpu.memory_space<vmem>>
      %dma_wait3A_150 = tpu.memref_squeeze %dma_wait3A_149 : memref<1x128xi32, #tpu.memory_space<vmem>> -> memref<128xi32, #tpu.memory_space<vmem>>
      %dma_wait3A_151 = arith.constant 0 : i32
      %dma_wait3A_152 = arith.constant 0 : i32
      %dma_wait3A_153 = tpu.memref_slice %arg10[%dma_wait3A_151, %dma_wait3A_152] : memref<10240x32xf32, #tpu.memory_space<vmem_shared>> -> memref<10240x32xf32, #tpu.memory_space<vmem_shared>>
      tpu.wait_indirect_dma semaphore(%arg12 : memref<!tpu.dma_semaphore, #tpu.memory_space<semaphore_mem>>) src(%dma_wait3A_153 : memref<10240x32xf32, #tpu.memory_space<vmem_shared>>) dst(%arg8 : memref<128x32xf32, #tpu.memory_space<vmem>>)
      %dma_start3A_154 = arith.constant 0 : i32
      %dma_start3A_155 = tpu.memref_slice %arg7[%mul3A_124, %dma_start3A_154] : memref<157x128xi32, #tpu.memory_space<vmem>> -> memref<1x128xi32, #tpu.memory_space<vmem>>
      %dma_start3A_156 = tpu.memref_squeeze %dma_start3A_155 : memref<1x128xi32, #tpu.memory_space<vmem>> -> memref<128xi32, #tpu.memory_space<vmem>>
      %dma_start3A_157 = arith.constant 0 : i32
      %dma_start3A_158 = arith.constant 0 : i32
      %dma_start3A_159 = tpu.memref_slice %arg11[%dma_start3A_157, %dma_start3A_158] : memref<10240x32xf32, #tpu.memory_space<vmem_shared>> -> memref<10240x32xf32, #tpu.memory_space<vmem_shared>>
      tpu.enqueue_indirect_dma source(%arg8 : memref<128x32xf32, #tpu.memory_space<vmem>>) target(%dma_start3A_159 : memref<10240x32xf32, #tpu.memory_space<vmem_shared>>) offsets(%dma_start3A_156 : memref<128xi32, #tpu.memory_space<vmem>>) semaphore(%arg14 : memref<!tpu.dma_semaphore, #tpu.memory_space<semaphore_mem>>) {add = true}
      %dma_wait3A_160 = arith.constant 0 : i32
      %dma_wait3A_161 = arith.constant 0 : i32
      %dma_wait3A_162 = tpu.memref_slice %arg6[%dma_wait3A_160, %dma_wait3A_161] : memref<157x128xi32, #tpu.memory_space<vmem>> -> memref<1x128xi32, #tpu.memory_space<vmem>>
      %dma_wait3A_163 = tpu.memref_squeeze %dma_wait3A_162 : memref<1x128xi32, #tpu.memory_space<vmem>> -> memref<128xi32, #tpu.memory_space<vmem>>
      %dma_wait3A_164 = arith.constant 0 : i32
      %dma_wait3A_165 = arith.constant 0 : i32
      %dma_wait3A_166 = tpu.memref_slice %arg10[%dma_wait3A_164, %dma_wait3A_165] : memref<10240x32xf32, #tpu.memory_space<vmem_shared>> -> memref<10240x32xf32, #tpu.memory_space<vmem_shared>>
      tpu.wait_indirect_dma semaphore(%arg13 : memref<!tpu.dma_semaphore, #tpu.memory_space<semaphore_mem>>) src(%dma_wait3A_166 : memref<10240x32xf32, #tpu.memory_space<vmem_shared>>) dst(%arg9 : memref<128x32xf32, #tpu.memory_space<vmem>>)
      %dma_start3A_167 = arith.constant 0 : i32
      %dma_start3A_168 = tpu.memref_slice %arg7[%add3A_126, %dma_start3A_167] : memref<157x128xi32, #tpu.memory_space<vmem>> -> memref<1x128xi32, #tpu.memory_space<vmem>>
      %dma_start3A_169 = tpu.memref_squeeze %dma_start3A_168 : memref<1x128xi32, #tpu.memory_space<vmem>> -> memref<128xi32, #tpu.memory_space<vmem>>
      %dma_start3A_170 = arith.constant 0 : i32
      %dma_start3A_171 = arith.constant 0 : i32
      %dma_start3A_172 = tpu.memref_slice %arg11[%dma_start3A_170, %dma_start3A_171] : memref<10240x32xf32, #tpu.memory_space<vmem_shared>> -> memref<10240x32xf32, #tpu.memory_space<vmem_shared>>
      tpu.enqueue_indirect_dma source(%arg9 : memref<128x32xf32, #tpu.memory_space<vmem>>) target(%dma_start3A_172 : memref<10240x32xf32, #tpu.memory_space<vmem_shared>>) offsets(%dma_start3A_169 : memref<128xi32, #tpu.memory_space<vmem>>) semaphore(%arg15 : memref<!tpu.dma_semaphore, #tpu.memory_space<semaphore_mem>>) {add = true}
    }
    %while3A_82 = arith.constant 1 : i32
    scf.for %while3A_122 = %while3A_80 to %while3A_76 step %while3A_82  : i32 {
      %mul3A_123 = arith.constant 2 : i32
      %mul3A_124 = arith.muli %mul3A_123, %while3A_122 : i32
      %add3A_125 = arith.constant 1 : i32
      %add3A_126 = arith.addi %mul3A_124, %add3A_125 : i32
      %gt3A = arith.constant 0 : i32
      %gt3A_127 = arith.cmpi sgt, %while3A_122, %gt3A : i32
      %convert_element_type3A_128 = arith.extui %gt3A_127 : i1 to i32
      %cond3A_129 = arith.constant 0 : i32
      %cond3A_130 = arith.cmpi ne, %convert_element_type3A_128, %cond3A_129 : i32
      scf.if %cond3A_130 {
        %dma_wait3A_173 = arith.constant 0 : i32
        %dma_wait3A_174 = arith.constant 0 : i32
        %dma_wait3A_175 = tpu.memref_slice %arg7[%dma_wait3A_173, %dma_wait3A_174] : memref<157x128xi32, #tpu.memory_space<vmem>> -> memref<1x128xi32, #tpu.memory_space<vmem>>
        %dma_wait3A_176 = tpu.memref_squeeze %dma_wait3A_175 : memref<1x128xi32, #tpu.memory_space<vmem>> -> memref<128xi32, #tpu.memory_space<vmem>>
        %dma_wait3A_177 = arith.constant 0 : i32
        %dma_wait3A_178 = arith.constant 0 : i32
        %dma_wait3A_179 = tpu.memref_slice %arg11[%dma_wait3A_177, %dma_wait3A_178] : memref<10240x32xf32, #tpu.memory_space<vmem_shared>> -> memref<10240x32xf32, #tpu.memory_space<vmem_shared>>
        tpu.wait_indirect_dma semaphore(%arg14 : memref<!tpu.dma_semaphore, #tpu.memory_space<semaphore_mem>>) src(%arg8 : memref<128x32xf32, #tpu.memory_space<vmem>>) dst(%dma_wait3A_179 : memref<10240x32xf32, #tpu.memory_space<vmem_shared>>)
      } else {
      }
      %dma_start3A = arith.constant 0 : i32
      %dma_start3A_131 = tpu.memref_slice %arg6[%mul3A_124, %dma_start3A] : memref<157x128xi32, #tpu.memory_space<vmem>> -> memref<1x128xi32, #tpu.memory_space<vmem>>
      %dma_start3A_132 = tpu.memref_squeeze %dma_start3A_131 : memref<1x128xi32, #tpu.memory_space<vmem>> -> memref<128xi32, #tpu.memory_space<vmem>>
      %dma_start3A_133 = arith.constant 0 : i32
      %dma_start3A_134 = arith.constant 0 : i32
      %dma_start3A_135 = tpu.memref_slice %arg10[%dma_start3A_133, %dma_start3A_134] : memref<10240x32xf32, #tpu.memory_space<vmem_shared>> -> memref<10240x32xf32, #tpu.memory_space<vmem_shared>>
      tpu.enqueue_indirect_dma source(%dma_start3A_135 : memref<10240x32xf32, #tpu.memory_space<vmem_shared>>) target(%arg8 : memref<128x32xf32, #tpu.memory_space<vmem>>) offsets(%dma_start3A_132 : memref<128xi32, #tpu.memory_space<vmem>>) semaphore(%arg12 : memref<!tpu.dma_semaphore, #tpu.memory_space<semaphore_mem>>)
      %gt3A_136 = arith.constant 0 : i32
      %gt3A_137 = arith.cmpi sgt, %while3A_122, %gt3A_136 : i32
      %convert_element_type3A_138 = arith.extui %gt3A_137 : i1 to i32
      %cond3A_139 = arith.constant 0 : i32
      %cond3A_140 = arith.cmpi ne, %convert_element_type3A_138, %cond3A_139 : i32
      scf.if %cond3A_140 {
        %dma_wait3A_173 = arith.constant 0 : i32
        %dma_wait3A_174 = arith.constant 0 : i32
        %dma_wait3A_175 = tpu.memref_slice %arg7[%dma_wait3A_173, %dma_wait3A_174] : memref<157x128xi32, #tpu.memory_space<vmem>> -> memref<1x128xi32, #tpu.memory_space<vmem>>
        %dma_wait3A_176 = tpu.memref_squeeze %dma_wait3A_175 : memref<1x128xi32, #tpu.memory_space<vmem>> -> memref<128xi32, #tpu.memory_space<vmem>>
        %dma_wait3A_177 = arith.constant 0 : i32
        %dma_wait3A_178 = arith.constant 0 : i32
        %dma_wait3A_179 = tpu.memref_slice %arg11[%dma_wait3A_177, %dma_wait3A_178] : memref<10240x32xf32, #tpu.memory_space<vmem_shared>> -> memref<10240x32xf32, #tpu.memory_space<vmem_shared>>
        tpu.wait_indirect_dma semaphore(%arg15 : memref<!tpu.dma_semaphore, #tpu.memory_space<semaphore_mem>>) src(%arg9 : memref<128x32xf32, #tpu.memory_space<vmem>>) dst(%dma_wait3A_179 : memref<10240x32xf32, #tpu.memory_space<vmem_shared>>)
      } else {
      }
      %dma_start3A_141 = arith.constant 0 : i32
      %dma_start3A_142 = tpu.memref_slice %arg6[%add3A_126, %dma_start3A_141] : memref<157x128xi32, #tpu.memory_space<vmem>> -> memref<1x128xi32, #tpu.memory_space<vmem>>
      %dma_start3A_143 = tpu.memref_squeeze %dma_start3A_142 : memref<1x128xi32, #tpu.memory_space<vmem>> -> memref<128xi32, #tpu.memory_space<vmem>>
      %dma_start3A_144 = arith.constant 0 : i32
      %dma_start3A_145 = arith.constant 0 : i32
      %dma_start3A_146 = tpu.memref_slice %arg10[%dma_start3A_144, %dma_start3A_145] : memref<10240x32xf32, #tpu.memory_space<vmem_shared>> -> memref<10240x32xf32, #tpu.memory_space<vmem_shared>>
      tpu.enqueue_indirect_dma source(%dma_start3A_146 : memref<10240x32xf32, #tpu.memory_space<vmem_shared>>) target(%arg9 : memref<128x32xf32, #tpu.memory_space<vmem>>) offsets(%dma_start3A_143 : memref<128xi32, #tpu.memory_space<vmem>>) semaphore(%arg13 : memref<!tpu.dma_semaphore, #tpu.memory_space<semaphore_mem>>)
      %dma_wait3A_147 = arith.constant 0 : i32
      %dma_wait3A_148 = arith.constant 0 : i32
      %dma_wait3A_149 = tpu.memref_slice %arg6[%dma_wait3A_147, %dma_wait3A_148] : memref<157x128xi32, #tpu.memory_space<vmem>> -> memref<1x128xi32, #tpu.memory_space<vmem>>
      %dma_wait3A_150 = tpu.memref_squeeze %dma_wait3A_149 : memref<1x128xi32, #tpu.memory_space<vmem>> -> memref<128xi32, #tpu.memory_space<vmem>>
      %dma_wait3A_151 = arith.constant 0 : i32
      %dma_wait3A_152 = arith.constant 0 : i32
      %dma_wait3A_153 = tpu.memref_slice %arg10[%dma_wait3A_151, %dma_wait3A_152] : memref<10240x32xf32, #tpu.memory_space<vmem_shared>> -> memref<10240x32xf32, #tpu.memory_space<vmem_shared>>
      tpu.wait_indirect_dma semaphore(%arg12 : memref<!tpu.dma_semaphore, #tpu.memory_space<semaphore_mem>>) src(%dma_wait3A_153 : memref<10240x32xf32, #tpu.memory_space<vmem_shared>>) dst(%arg8 : memref<128x32xf32, #tpu.memory_space<vmem>>)
      %dma_start3A_154 = arith.constant 0 : i32
      %dma_start3A_155 = tpu.memref_slice %arg7[%mul3A_124, %dma_start3A_154] : memref<157x128xi32, #tpu.memory_space<vmem>> -> memref<1x128xi32, #tpu.memory_space<vmem>>
      %dma_start3A_156 = tpu.memref_squeeze %dma_start3A_155 : memref<1x128xi32, #tpu.memory_space<vmem>> -> memref<128xi32, #tpu.memory_space<vmem>>
      %dma_start3A_157 = arith.constant 0 : i32
      %dma_start3A_158 = arith.constant 0 : i32
      %dma_start3A_159 = tpu.memref_slice %arg11[%dma_start3A_157, %dma_start3A_158] : memref<10240x32xf32, #tpu.memory_space<vmem_shared>> -> memref<10240x32xf32, #tpu.memory_space<vmem_shared>>
      tpu.enqueue_indirect_dma source(%arg8 : memref<128x32xf32, #tpu.memory_space<vmem>>) target(%dma_start3A_159 : memref<10240x32xf32, #tpu.memory_space<vmem_shared>>) offsets(%dma_start3A_156 : memref<128xi32, #tpu.memory_space<vmem>>) semaphore(%arg14 : memref<!tpu.dma_semaphore, #tpu.memory_space<semaphore_mem>>) {add = true}
      %dma_wait3A_160 = arith.constant 0 : i32
      %dma_wait3A_161 = arith.constant 0 : i32
      %dma_wait3A_162 = tpu.memref_slice %arg6[%dma_wait3A_160, %dma_wait3A_161] : memref<157x128xi32, #tpu.memory_space<vmem>> -> memref<1x128xi32, #tpu.memory_space<vmem>>
      %dma_wait3A_163 = tpu.memref_squeeze %dma_wait3A_162 : memref<1x128xi32, #tpu.memory_space<vmem>> -> memref<128xi32, #tpu.memory_space<vmem>>
      %dma_wait3A_164 = arith.constant 0 : i32
      %dma_wait3A_165 = arith.constant 0 : i32
      %dma_wait3A_166 = tpu.memref_slice %arg10[%dma_wait3A_164, %dma_wait3A_165] : memref<10240x32xf32, #tpu.memory_space<vmem_shared>> -> memref<10240x32xf32, #tpu.memory_space<vmem_shared>>
      tpu.wait_indirect_dma semaphore(%arg13 : memref<!tpu.dma_semaphore, #tpu.memory_space<semaphore_mem>>) src(%dma_wait3A_166 : memref<10240x32xf32, #tpu.memory_space<vmem_shared>>) dst(%arg9 : memref<128x32xf32, #tpu.memory_space<vmem>>)
      %dma_start3A_167 = arith.constant 0 : i32
      %dma_start3A_168 = tpu.memref_slice %arg7[%add3A_126, %dma_start3A_167] : memref<157x128xi32, #tpu.memory_space<vmem>> -> memref<1x128xi32, #tpu.memory_space<vmem>>
      %dma_start3A_169 = tpu.memref_squeeze %dma_start3A_168 : memref<1x128xi32, #tpu.memory_space<vmem>> -> memref<128xi32, #tpu.memory_space<vmem>>
      %dma_start3A_170 = arith.constant 0 : i32
      %dma_start3A_171 = arith.constant 0 : i32
      %dma_start3A_172 = tpu.memref_slice %arg11[%dma_start3A_170, %dma_start3A_171] : memref<10240x32xf32, #tpu.memory_space<vmem_shared>> -> memref<10240x32xf32, #tpu.memory_space<vmem_shared>>
      tpu.enqueue_indirect_dma source(%arg9 : memref<128x32xf32, #tpu.memory_space<vmem>>) target(%dma_start3A_172 : memref<10240x32xf32, #tpu.memory_space<vmem_shared>>) offsets(%dma_start3A_169 : memref<128xi32, #tpu.memory_space<vmem>>) semaphore(%arg15 : memref<!tpu.dma_semaphore, #tpu.memory_space<semaphore_mem>>) {add = true}
    }
    %jit3A_83 = arith.constant 2 : i32
    %eq3A_84 = arith.constant 0 : i32
    %eq3A_85 = arith.cmpi eq, %jit3A_83, %eq3A_84 : i32
    %jit3A_86 = arith.constant 1 : i32
    %select_n3A_87 = arith.select %eq3A_85, %jit3A_86, %jit3A_83 : i32
    %rem3A_88 = arith.remsi %sub3A_46, %select_n3A_87 : i32
    %ne3A_89 = arith.constant 0 : i32
    %ne3A_90 = arith.cmpi ne, %rem3A_88, %ne3A_89 : i32
    %lt3A = arith.constant 0 : i32
    %lt3A_91 = arith.cmpi slt, %rem3A_88, %lt3A : i32
    %lt3A_92 = arith.constant 0 : i32
    %lt3A_93 = arith.cmpi slt, %select_n3A_87, %lt3A_92 : i32
    %ne3A_94 = arith.xori %lt3A_91, %lt3A_93 : i1
    %and3A_95 = arith.andi %ne3A_94, %ne3A_90 : i1
    %add3A_96 = arith.addi %rem3A_88, %select_n3A_87 : i32
    %select_n3A_97 = arith.select %and3A_95, %add3A_96, %rem3A_88 : i32
    %eq3A_98 = arith.constant 1 : i32
    %eq3A_99 = arith.cmpi eq, %select_n3A_97, %eq3A_98 : i32
    %convert_element_type3A_100 = arith.extui %eq3A_99 : i1 to i32
    %cond3A_101 = arith.constant 0 : i32
    %cond3A_102 = arith.cmpi ne, %convert_element_type3A_100, %cond3A_101 : i32
    scf.if %cond3A_102 {
      %dma_wait3A_122 = arith.constant 0 : i32
      %dma_wait3A_123 = arith.constant 0 : i32
      %dma_wait3A_124 = tpu.memref_slice %arg7[%dma_wait3A_122, %dma_wait3A_123] : memref<157x128xi32, #tpu.memory_space<vmem>> -> memref<1x128xi32, #tpu.memory_space<vmem>>
      %dma_wait3A_125 = tpu.memref_squeeze %dma_wait3A_124 : memref<1x128xi32, #tpu.memory_space<vmem>> -> memref<128xi32, #tpu.memory_space<vmem>>
      %dma_wait3A_126 = arith.constant 0 : i32
      %dma_wait3A_127 = arith.constant 0 : i32
      %dma_wait3A_128 = tpu.memref_slice %arg11[%dma_wait3A_126, %dma_wait3A_127] : memref<10240x32xf32, #tpu.memory_space<vmem_shared>> -> memref<10240x32xf32, #tpu.memory_space<vmem_shared>>
      tpu.wait_indirect_dma semaphore(%arg14 : memref<!tpu.dma_semaphore, #tpu.memory_space<semaphore_mem>>) src(%arg8 : memref<128x32xf32, #tpu.memory_space<vmem>>) dst(%dma_wait3A_128 : memref<10240x32xf32, #tpu.memory_space<vmem_shared>>)
      %sub3A_129 = arith.constant 1 : i32
      %sub3A_130 = arith.subi %sub3A_46, %sub3A_129 : i32
      %dma_start3A = arith.constant 0 : i32
      %dma_start3A_131 = tpu.memref_slice %arg6[%sub3A_130, %dma_start3A] : memref<157x128xi32, #tpu.memory_space<vmem>> -> memref<1x128xi32, #tpu.memory_space<vmem>>
      %dma_start3A_132 = tpu.memref_squeeze %dma_start3A_131 : memref<1x128xi32, #tpu.memory_space<vmem>> -> memref<128xi32, #tpu.memory_space<vmem>>
      %dma_start3A_133 = arith.constant 0 : i32
      %dma_start3A_134 = arith.constant 0 : i32
      %dma_start3A_135 = tpu.memref_slice %arg10[%dma_start3A_133, %dma_start3A_134] : memref<10240x32xf32, #tpu.memory_space<vmem_shared>> -> memref<10240x32xf32, #tpu.memory_space<vmem_shared>>
      tpu.enqueue_indirect_dma source(%dma_start3A_135 : memref<10240x32xf32, #tpu.memory_space<vmem_shared>>) target(%arg8 : memref<128x32xf32, #tpu.memory_space<vmem>>) offsets(%dma_start3A_132 : memref<128xi32, #tpu.memory_space<vmem>>) semaphore(%arg12 : memref<!tpu.dma_semaphore, #tpu.memory_space<semaphore_mem>>)
      %dma_wait3A_136 = arith.constant 0 : i32
      %dma_wait3A_137 = arith.constant 0 : i32
      %dma_wait3A_138 = tpu.memref_slice %arg6[%dma_wait3A_136, %dma_wait3A_137] : memref<157x128xi32, #tpu.memory_space<vmem>> -> memref<1x128xi32, #tpu.memory_space<vmem>>
      %dma_wait3A_139 = tpu.memref_squeeze %dma_wait3A_138 : memref<1x128xi32, #tpu.memory_space<vmem>> -> memref<128xi32, #tpu.memory_space<vmem>>
      %dma_wait3A_140 = arith.constant 0 : i32
      %dma_wait3A_141 = arith.constant 0 : i32
      %dma_wait3A_142 = tpu.memref_slice %arg10[%dma_wait3A_140, %dma_wait3A_141] : memref<10240x32xf32, #tpu.memory_space<vmem_shared>> -> memref<10240x32xf32, #tpu.memory_space<vmem_shared>>
      tpu.wait_indirect_dma semaphore(%arg12 : memref<!tpu.dma_semaphore, #tpu.memory_space<semaphore_mem>>) src(%dma_wait3A_142 : memref<10240x32xf32, #tpu.memory_space<vmem_shared>>) dst(%arg8 : memref<128x32xf32, #tpu.memory_space<vmem>>)
      %sub3A_143 = arith.constant 1 : i32
      %sub3A_144 = arith.subi %sub3A_46, %sub3A_143 : i32
      %dma_start3A_145 = arith.constant 0 : i32
      %dma_start3A_146 = tpu.memref_slice %arg7[%sub3A_144, %dma_start3A_145] : memref<157x128xi32, #tpu.memory_space<vmem>> -> memref<1x128xi32, #tpu.memory_space<vmem>>
      %dma_start3A_147 = tpu.memref_squeeze %dma_start3A_146 : memref<1x128xi32, #tpu.memory_space<vmem>> -> memref<128xi32, #tpu.memory_space<vmem>>
      %dma_start3A_148 = arith.constant 0 : i32
      %dma_start3A_149 = arith.constant 0 : i32
      %dma_start3A_150 = tpu.memref_slice %arg11[%dma_start3A_148, %dma_start3A_149] : memref<10240x32xf32, #tpu.memory_space<vmem_shared>> -> memref<10240x32xf32, #tpu.memory_space<vmem_shared>>
      tpu.enqueue_indirect_dma source(%arg8 : memref<128x32xf32, #tpu.memory_space<vmem>>) target(%dma_start3A_150 : memref<10240x32xf32, #tpu.memory_space<vmem_shared>>) offsets(%dma_start3A_147 : memref<128xi32, #tpu.memory_space<vmem>>) semaphore(%arg14 : memref<!tpu.dma_semaphore, #tpu.memory_space<semaphore_mem>>) {add = true}
    } else {
    }
    %dma_wait3A = arith.constant 0 : i32
    %dma_wait3A_103 = arith.constant 0 : i32
    %dma_wait3A_104 = tpu.memref_slice %arg7[%dma_wait3A, %dma_wait3A_103] : memref<157x128xi32, #tpu.memory_space<vmem>> -> memref<1x128xi32, #tpu.memory_space<vmem>>
    %dma_wait3A_105 = tpu.memref_squeeze %dma_wait3A_104 : memref<1x128xi32, #tpu.memory_space<vmem>> -> memref<128xi32, #tpu.memory_space<vmem>>
    %dma_wait3A_106 = arith.constant 0 : i32
    %dma_wait3A_107 = arith.constant 0 : i32
    %dma_wait3A_108 = tpu.memref_slice %arg11[%dma_wait3A_106, %dma_wait3A_107] : memref<10240x32xf32, #tpu.memory_space<vmem_shared>> -> memref<10240x32xf32, #tpu.memory_space<vmem_shared>>
    tpu.wait_indirect_dma semaphore(%arg14 : memref<!tpu.dma_semaphore, #tpu.memory_space<semaphore_mem>>) src(%arg8 : memref<128x32xf32, #tpu.memory_space<vmem>>) dst(%dma_wait3A_108 : memref<10240x32xf32, #tpu.memory_space<vmem_shared>>)
    %dma_wait3A_109 = arith.constant 0 : i32
    %dma_wait3A_110 = arith.constant 0 : i32
    %dma_wait3A_111 = tpu.memref_slice %arg7[%dma_wait3A_109, %dma_wait3A_110] : memref<157x128xi32, #tpu.memory_space<vmem>> -> memref<1x128xi32, #tpu.memory_space<vmem>>
    %dma_wait3A_112 = tpu.memref_squeeze %dma_wait3A_111 : memref<1x128xi32, #tpu.memory_space<vmem>> -> memref<128xi32, #tpu.memory_space<vmem>>
    %dma_wait3A_113 = arith.constant 0 : i32
    %dma_wait3A_114 = arith.constant 0 : i32
    %dma_wait3A_115 = tpu.memref_slice %arg11[%dma_wait3A_113, %dma_wait3A_114] : memref<10240x32xf32, #tpu.memory_space<vmem_shared>> -> memref<10240x32xf32, #tpu.memory_space<vmem_shared>>
    tpu.wait_indirect_dma semaphore(%arg15 : memref<!tpu.dma_semaphore, #tpu.memory_space<semaphore_mem>>) src(%arg9 : memref<128x32xf32, #tpu.memory_space<vmem>>) dst(%dma_wait3A_115 : memref<10240x32xf32, #tpu.memory_space<vmem_shared>>)
    %barrier3A_116 = arith.constant 0 : index
    tpu.barrier barrier_id(%barrier3A_116)
    %eq3A_117 = arith.constant 0 : i32
    %eq3A_118 = arith.cmpi eq, %arg1, %eq3A_117 : i32
    %convert_element_type3A_119 = arith.extui %eq3A_118 : i1 to i32
    %cond3A_120 = arith.constant 0 : i32
    %cond3A_121 = arith.cmpi ne, %convert_element_type3A_119, %cond3A_120 : i32
    scf.if %cond3A_121 {
      "tpu.region"() ({
        %run_scoped3A_122 = tpu.sem_alloc : memref<!tpu.dma_semaphore, #tpu.memory_space<semaphore_mem>>
        %dma_start3A = arith.constant 0 : i32
        %dma_start3A_123 = tpu.memref_slice %arg5[%dma_start3A, %mul3A_0] : memref<10240x64xf32, #tpu.memory_space<hbm>> -> memref<10240x32xf32, #tpu.memory_space<hbm>>
        tpu.enqueue_dma source(%arg11 : memref<10240x32xf32, #tpu.memory_space<vmem_shared>>) target(%dma_start3A_123 : memref<10240x32xf32, #tpu.memory_space<hbm>>) target_semaphore(%run_scoped3A_122 : memref<!tpu.dma_semaphore, #tpu.memory_space<semaphore_mem>>)
        %dma_wait3A_124 = arith.constant 0 : i32
        %dma_wait3A_125 = tpu.memref_slice %arg5[%dma_wait3A_124, %mul3A_0] : memref<10240x64xf32, #tpu.memory_space<hbm>> -> memref<10240x32xf32, #tpu.memory_space<hbm>>
        tpu.wait_dma2 semaphore(%run_scoped3A_122 : memref<!tpu.dma_semaphore, #tpu.memory_space<semaphore_mem>>) src(%arg11 : memref<10240x32xf32, #tpu.memory_space<vmem_shared>>) dst(%dma_wait3A_125 : memref<10240x32xf32, #tpu.memory_space<hbm>>)
        tpu.yield
      }) : () -> ()
    } else {
    }
    return
  }
}

#map = affine_map<(d0, d1) -> (0, 0, 0)>
#map1 = affine_map<(d0, d1) -> (0, 0)>
module attributes {stable_mosaic.version = 14 : i64} {
  func.func @body(%arg0: i32, %arg1: i32, %arg2: memref<2x2500x128xi32, #tpu.memory_space<hbm>>, %arg3: memref<640x16xf32, #tpu.memory_space<hbm>>, %arg4: memref<128x16xf32, #tpu.memory_space<hbm>>, %arg5: memref<2x10240x16xf32, #tpu.memory_space<hbm>>, %arg6: memref<79x128xi32, #tpu.memory_space<vmem>>, %arg7: memref<128x16xf32, #tpu.memory_space<vmem>>, %arg8: memref<640x16xf32, #tpu.memory_space<vmem>>, %arg9: memref<10240x16xf32, #tpu.memory_space<vmem_shared>>, %arg10: memref<!tpu.dma_semaphore, #tpu.memory_space<semaphore_mem>>, %arg11: memref<!tpu.dma_semaphore, #tpu.memory_space<semaphore_mem>>) attributes {dimension_semantics = [#tpu.dimension_semantics<core_parallel>, #tpu.dimension_semantics<subcore_parallel>], iteration_bounds = array<i64: 2, 16>, scalar_prefetch = 0 : i64, scratch_operands = 6 : i64, tpu.core_type = #tpu.core_type<sc_vector_subcore>, window_params = [{transform_indices = #map}, {transform_indices = #map1}, {transform_indices = #map1}, {transform_indices = #map}]} {
    %mul3A = arith.constant 16 : i32
    %mul3A_0 = arith.muli %arg0, %mul3A : i32
    %add3A = arith.addi %mul3A_0, %arg1 : i32
    %mul3A_1 = arith.constant 640 : i32
    %mul3A_2 = arith.muli %arg1, %mul3A_1 : i32
    %mul3A_3 = arith.constant 2500 : i32
    %mul3A_4 = arith.muli %mul3A_3, %add3A : i32
    %jit3A = arith.constant 32 : i32
    %div3A = arith.divsi %mul3A_4, %jit3A : i32
    %sign3A = arith.constant 0 : i32
    %sign3A_5 = arith.cmpi sgt, %mul3A_4, %sign3A : i32
    %sign3A_6 = arith.extui %sign3A_5 : i1 to i32
    %sign3A_7 = arith.constant 0 : i32
    %sign3A_8 = arith.cmpi slt, %mul3A_4, %sign3A_7 : i32
    %sign3A_9 = arith.extui %sign3A_8 : i1 to i32
    %sign3A_10 = arith.subi %sign3A_6, %sign3A_9 : i32
    %sign3A_11 = arith.constant 0 : i32
    %sign3A_12 = arith.cmpi sgt, %jit3A, %sign3A_11 : i32
    %sign3A_13 = arith.extui %sign3A_12 : i1 to i32
    %sign3A_14 = arith.constant 0 : i32
    %sign3A_15 = arith.cmpi slt, %jit3A, %sign3A_14 : i32
    %sign3A_16 = arith.extui %sign3A_15 : i1 to i32
    %sign3A_17 = arith.subi %sign3A_13, %sign3A_16 : i32
    %ne3A = arith.cmpi ne, %sign3A_10, %sign3A_17 : i32
    %rem3A = arith.remsi %mul3A_4, %jit3A : i32
    %ne3A_18 = arith.constant 0 : i32
    %ne3A_19 = arith.cmpi ne, %rem3A, %ne3A_18 : i32
    %and3A = arith.andi %ne3A, %ne3A_19 : i1
    %sub3A = arith.constant 1 : i32
    %sub3A_20 = arith.subi %div3A, %sub3A : i32
    %select_n3A = arith.select %and3A, %sub3A_20, %div3A : i32
    %add3A_21 = arith.constant 1 : i32
    %add3A_22 = arith.addi %add3A, %add3A_21 : i32
    %mul3A_23 = arith.constant 2500 : i32
    %mul3A_24 = arith.muli %mul3A_23, %add3A_22 : i32
    %jit3A_25 = arith.constant 32 : i32
    %div3A_26 = arith.divsi %mul3A_24, %jit3A_25 : i32
    %sign3A_27 = arith.constant 0 : i32
    %sign3A_28 = arith.cmpi sgt, %mul3A_24, %sign3A_27 : i32
    %sign3A_29 = arith.extui %sign3A_28 : i1 to i32
    %sign3A_30 = arith.constant 0 : i32
    %sign3A_31 = arith.cmpi slt, %mul3A_24, %sign3A_30 : i32
    %sign3A_32 = arith.extui %sign3A_31 : i1 to i32
    %sign3A_33 = arith.subi %sign3A_29, %sign3A_32 : i32
    %sign3A_34 = arith.constant 0 : i32
    %sign3A_35 = arith.cmpi sgt, %jit3A_25, %sign3A_34 : i32
    %sign3A_36 = arith.extui %sign3A_35 : i1 to i32
    %sign3A_37 = arith.constant 0 : i32
    %sign3A_38 = arith.cmpi slt, %jit3A_25, %sign3A_37 : i32
    %sign3A_39 = arith.extui %sign3A_38 : i1 to i32
    %sign3A_40 = arith.subi %sign3A_36, %sign3A_39 : i32
    %ne3A_41 = arith.cmpi ne, %sign3A_33, %sign3A_40 : i32
    %rem3A_42 = arith.remsi %mul3A_24, %jit3A_25 : i32
    %ne3A_43 = arith.constant 0 : i32
    %ne3A_44 = arith.cmpi ne, %rem3A_42, %ne3A_43 : i32
    %and3A_45 = arith.andi %ne3A_41, %ne3A_44 : i1
    %sub3A_46 = arith.constant 1 : i32
    %sub3A_47 = arith.subi %div3A_26, %sub3A_46 : i32
    %select_n3A_48 = arith.select %and3A_45, %sub3A_47, %div3A_26 : i32
    %sub3A_49 = arith.subi %select_n3A_48, %select_n3A : i32
    "tpu.region"() ({
      %run_scoped3A_114 = tpu.sem_alloc : memref<!tpu.dma_semaphore, #tpu.memory_space<semaphore_mem>>
      tpu.enqueue_dma source(%arg3 : memref<640x16xf32, #tpu.memory_space<hbm>>) target(%arg8 : memref<640x16xf32, #tpu.memory_space<vmem>>) target_semaphore(%run_scoped3A_114 : memref<!tpu.dma_semaphore, #tpu.memory_space<semaphore_mem>>)
      tpu.wait_dma2 semaphore(%run_scoped3A_114 : memref<!tpu.dma_semaphore, #tpu.memory_space<semaphore_mem>>) src(%arg3 : memref<640x16xf32, #tpu.memory_space<hbm>>) dst(%arg8 : memref<640x16xf32, #tpu.memory_space<vmem>>)
      tpu.yield
    }) : () -> ()
    "tpu.region"() ({
      %run_scoped3A_114 = tpu.sem_alloc : memref<!tpu.dma_semaphore, #tpu.memory_space<semaphore_mem>>
      %dma_start3A = arith.constant 0 : i32
      %dma_start3A_115 = tpu.memref_slice %arg9[%mul3A_2, %dma_start3A] : memref<10240x16xf32, #tpu.memory_space<vmem_shared>> -> memref<640x16xf32, #tpu.memory_space<vmem_shared>>
      %dma_start3A_116 = arith.constant 0 : i32
      %dma_start3A_117 = tpu.memref_slice %arg9[%mul3A_2, %dma_start3A_116] : memref<10240x16xf32, #tpu.memory_space<vmem_shared>> -> memref<640x16xf32, #tpu.memory_space<vmem_shared>>
      tpu.enqueue_dma source(%arg8 : memref<640x16xf32, #tpu.memory_space<vmem>>) target(%dma_start3A_117 : memref<640x16xf32, #tpu.memory_space<vmem_shared>>) target_semaphore(%run_scoped3A_114 : memref<!tpu.dma_semaphore, #tpu.memory_space<semaphore_mem>>)
      %dma_wait3A_118 = arith.constant 0 : i32
      %dma_wait3A_119 = tpu.memref_slice %arg9[%mul3A_2, %dma_wait3A_118] : memref<10240x16xf32, #tpu.memory_space<vmem_shared>> -> memref<640x16xf32, #tpu.memory_space<vmem_shared>>
      %dma_wait3A_120 = arith.constant 0 : i32
      %dma_wait3A_121 = tpu.memref_slice %arg9[%mul3A_2, %dma_wait3A_120] : memref<10240x16xf32, #tpu.memory_space<vmem_shared>> -> memref<640x16xf32, #tpu.memory_space<vmem_shared>>
      tpu.wait_dma2 semaphore(%run_scoped3A_114 : memref<!tpu.dma_semaphore, #tpu.memory_space<semaphore_mem>>) src(%arg8 : memref<640x16xf32, #tpu.memory_space<vmem>>) dst(%dma_wait3A_121 : memref<640x16xf32, #tpu.memory_space<vmem_shared>>)
      tpu.yield
    }) : () -> ()
    "tpu.region"() ({
      %run_scoped3A_114 = tpu.sem_alloc : memref<!tpu.dma_semaphore, #tpu.memory_space<semaphore_mem>>
      tpu.enqueue_dma source(%arg4 : memref<128x16xf32, #tpu.memory_space<hbm>>) target(%arg7 : memref<128x16xf32, #tpu.memory_space<vmem>>) target_semaphore(%run_scoped3A_114 : memref<!tpu.dma_semaphore, #tpu.memory_space<semaphore_mem>>)
      tpu.wait_dma2 semaphore(%run_scoped3A_114 : memref<!tpu.dma_semaphore, #tpu.memory_space<semaphore_mem>>) src(%arg4 : memref<128x16xf32, #tpu.memory_space<hbm>>) dst(%arg7 : memref<128x16xf32, #tpu.memory_space<vmem>>)
      tpu.yield
    }) : () -> ()
    %run_scoped3A = arith.constant 1 : i32
    "tpu.region"() ({
      %run_scoped3A_114 = tpu.sem_alloc : memref<!tpu.dma_semaphore, #tpu.memory_space<semaphore_mem>>
      %dma_start3A = arith.constant 0 : i32
      %dma_start3A_115 = tpu.memref_slice %arg2[%run_scoped3A, %select_n3A, %dma_start3A] : memref<2x2500x128xi32, #tpu.memory_space<hbm>> -> memref<1x79x128xi32, #tpu.memory_space<hbm>>
      %dma_start3A_116 = tpu.memref_squeeze %dma_start3A_115 : memref<1x79x128xi32, #tpu.memory_space<hbm>> -> memref<79x128xi32, #tpu.memory_space<hbm>>
      %dma_start3A_117 = arith.constant 0 : i32
      %dma_start3A_118 = tpu.memref_slice %arg2[%run_scoped3A, %select_n3A, %dma_start3A_117] : memref<2x2500x128xi32, #tpu.memory_space<hbm>> -> memref<1x79x128xi32, #tpu.memory_space<hbm>>
      %dma_start3A_119 = tpu.memref_squeeze %dma_start3A_118 : memref<1x79x128xi32, #tpu.memory_space<hbm>> -> memref<79x128xi32, #tpu.memory_space<hbm>>
      tpu.enqueue_dma source(%dma_start3A_119 : memref<79x128xi32, #tpu.memory_space<hbm>>) target(%arg6 : memref<79x128xi32, #tpu.memory_space<vmem>>) target_semaphore(%run_scoped3A_114 : memref<!tpu.dma_semaphore, #tpu.memory_space<semaphore_mem>>)
      %dma_wait3A_120 = arith.constant 0 : i32
      %dma_wait3A_121 = tpu.memref_slice %arg2[%run_scoped3A, %select_n3A, %dma_wait3A_120] : memref<2x2500x128xi32, #tpu.memory_space<hbm>> -> memref<1x79x128xi32, #tpu.memory_space<hbm>>
      %dma_wait3A_122 = tpu.memref_squeeze %dma_wait3A_121 : memref<1x79x128xi32, #tpu.memory_space<hbm>> -> memref<79x128xi32, #tpu.memory_space<hbm>>
      %dma_wait3A_123 = arith.constant 0 : i32
      %dma_wait3A_124 = tpu.memref_slice %arg2[%run_scoped3A, %select_n3A, %dma_wait3A_123] : memref<2x2500x128xi32, #tpu.memory_space<hbm>> -> memref<1x79x128xi32, #tpu.memory_space<hbm>>
      %dma_wait3A_125 = tpu.memref_squeeze %dma_wait3A_124 : memref<1x79x128xi32, #tpu.memory_space<hbm>> -> memref<79x128xi32, #tpu.memory_space<hbm>>
      tpu.wait_dma2 semaphore(%run_scoped3A_114 : memref<!tpu.dma_semaphore, #tpu.memory_space<semaphore_mem>>) src(%dma_wait3A_125 : memref<79x128xi32, #tpu.memory_space<hbm>>) dst(%arg6 : memref<79x128xi32, #tpu.memory_space<vmem>>)
      tpu.yield
    }) : () -> ()
    %barrier3A = arith.constant 0 : index
    tpu.barrier barrier_id(%barrier3A)
    %jit3A_50 = arith.constant 2 : i32
    %div3A_51 = arith.divsi %sub3A_49, %jit3A_50 : i32
    %sign3A_52 = arith.constant 0 : i32
    %sign3A_53 = arith.cmpi sgt, %sub3A_49, %sign3A_52 : i32
    %sign3A_54 = arith.extui %sign3A_53 : i1 to i32
    %sign3A_55 = arith.constant 0 : i32
    %sign3A_56 = arith.cmpi slt, %sub3A_49, %sign3A_55 : i32
    %sign3A_57 = arith.extui %sign3A_56 : i1 to i32
    %sign3A_58 = arith.subi %sign3A_54, %sign3A_57 : i32
    %sign3A_59 = arith.constant 0 : i32
    %sign3A_60 = arith.cmpi sgt, %jit3A_50, %sign3A_59 : i32
    %sign3A_61 = arith.extui %sign3A_60 : i1 to i32
    %sign3A_62 = arith.constant 0 : i32
    %sign3A_63 = arith.cmpi slt, %jit3A_50, %sign3A_62 : i32
    %sign3A_64 = arith.extui %sign3A_63 : i1 to i32
    %sign3A_65 = arith.subi %sign3A_61, %sign3A_64 : i32
    %ne3A_66 = arith.cmpi ne, %sign3A_58, %sign3A_65 : i32
    %rem3A_67 = arith.remsi %sub3A_49, %jit3A_50 : i32
    %ne3A_68 = arith.constant 0 : i32
    %ne3A_69 = arith.cmpi ne, %rem3A_67, %ne3A_68 : i32
    %and3A_70 = arith.andi %ne3A_66, %ne3A_69 : i1
    %sub3A_71 = arith.constant 1 : i32
    %sub3A_72 = arith.subi %div3A_51, %sub3A_71 : i32
    %select_n3A_73 = arith.select %and3A_70, %sub3A_72, %div3A_51 : i32
    %while3A = arith.constant 0 : i32
    %while3A_74 = arith.constant 0 : i32
    %while3A_75 = arith.subi %select_n3A_73, %while3A_74 : i32
    %while3A_76 = arith.addi %while3A_74, %while3A_75 : i32
    %while3A_77 = arith.constant 1 : i32
    %while3A_78 = arith.divsi %while3A_75, %while3A_77 : i32
    %while3A_79 = arith.muli %while3A_78, %while3A_77 : i32
    %while3A_80 = arith.addi %while3A_74, %while3A_79 : i32
    %while3A_81 = arith.constant 1 : i32
    scf.for %while3A_114 = %while3A_74 to %while3A_80 step %while3A_81  : i32 {
      %mul3A_115 = arith.constant 2 : i32
      %mul3A_116 = arith.muli %mul3A_115, %while3A_114 : i32
      %gt3A = arith.constant 0 : i32
      %gt3A_117 = arith.cmpi sgt, %while3A_114, %gt3A : i32
      %convert_element_type3A_118 = arith.extui %gt3A_117 : i1 to i32
      %cond3A_119 = arith.constant 0 : i32
      %cond3A_120 = arith.cmpi ne, %convert_element_type3A_118, %cond3A_119 : i32
      scf.if %cond3A_120 {
        %dma_wait3A_139 = arith.constant 0 : i32
        %dma_wait3A_140 = arith.constant 0 : i32
        %dma_wait3A_141 = tpu.memref_slice %arg6[%dma_wait3A_139, %dma_wait3A_140] : memref<79x128xi32, #tpu.memory_space<vmem>> -> memref<1x128xi32, #tpu.memory_space<vmem>>
        %dma_wait3A_142 = tpu.memref_squeeze %dma_wait3A_141 : memref<1x128xi32, #tpu.memory_space<vmem>> -> memref<128xi32, #tpu.memory_space<vmem>>
        %dma_wait3A_143 = arith.constant 0 : i32
        %dma_wait3A_144 = arith.constant 0 : i32
        %dma_wait3A_145 = tpu.memref_slice %arg9[%dma_wait3A_143, %dma_wait3A_144] : memref<10240x16xf32, #tpu.memory_space<vmem_shared>> -> memref<10240x16xf32, #tpu.memory_space<vmem_shared>>
        tpu.wait_indirect_dma semaphore(%arg10 : memref<!tpu.dma_semaphore, #tpu.memory_space<semaphore_mem>>) src(%arg7 : memref<128x16xf32, #tpu.memory_space<vmem>>) dst(%dma_wait3A_145 : memref<10240x16xf32, #tpu.memory_space<vmem_shared>>)
      } else {
      }
      %dma_start3A = arith.constant 0 : i32
      %dma_start3A_121 = tpu.memref_slice %arg6[%mul3A_116, %dma_start3A] : memref<79x128xi32, #tpu.memory_space<vmem>> -> memref<1x128xi32, #tpu.memory_space<vmem>>
      %dma_start3A_122 = tpu.memref_squeeze %dma_start3A_121 : memref<1x128xi32, #tpu.memory_space<vmem>> -> memref<128xi32, #tpu.memory_space<vmem>>
      %dma_start3A_123 = arith.constant 0 : i32
      %dma_start3A_124 = arith.constant 0 : i32
      %dma_start3A_125 = tpu.memref_slice %arg9[%dma_start3A_123, %dma_start3A_124] : memref<10240x16xf32, #tpu.memory_space<vmem_shared>> -> memref<10240x16xf32, #tpu.memory_space<vmem_shared>>
      tpu.enqueue_indirect_dma source(%arg7 : memref<128x16xf32, #tpu.memory_space<vmem>>) target(%dma_start3A_125 : memref<10240x16xf32, #tpu.memory_space<vmem_shared>>) offsets(%dma_start3A_122 : memref<128xi32, #tpu.memory_space<vmem>>) semaphore(%arg10 : memref<!tpu.dma_semaphore, #tpu.memory_space<semaphore_mem>>) {add = true}
      %gt3A_126 = arith.constant 0 : i32
      %gt3A_127 = arith.cmpi sgt, %while3A_114, %gt3A_126 : i32
      %convert_element_type3A_128 = arith.extui %gt3A_127 : i1 to i32
      %cond3A_129 = arith.constant 0 : i32
      %cond3A_130 = arith.cmpi ne, %convert_element_type3A_128, %cond3A_129 : i32
      scf.if %cond3A_130 {
        %dma_wait3A_139 = arith.constant 0 : i32
        %dma_wait3A_140 = arith.constant 0 : i32
        %dma_wait3A_141 = tpu.memref_slice %arg6[%dma_wait3A_139, %dma_wait3A_140] : memref<79x128xi32, #tpu.memory_space<vmem>> -> memref<1x128xi32, #tpu.memory_space<vmem>>
        %dma_wait3A_142 = tpu.memref_squeeze %dma_wait3A_141 : memref<1x128xi32, #tpu.memory_space<vmem>> -> memref<128xi32, #tpu.memory_space<vmem>>
        %dma_wait3A_143 = arith.constant 0 : i32
        %dma_wait3A_144 = arith.constant 0 : i32
        %dma_wait3A_145 = tpu.memref_slice %arg9[%dma_wait3A_143, %dma_wait3A_144] : memref<10240x16xf32, #tpu.memory_space<vmem_shared>> -> memref<10240x16xf32, #tpu.memory_space<vmem_shared>>
        tpu.wait_indirect_dma semaphore(%arg11 : memref<!tpu.dma_semaphore, #tpu.memory_space<semaphore_mem>>) src(%arg7 : memref<128x16xf32, #tpu.memory_space<vmem>>) dst(%dma_wait3A_145 : memref<10240x16xf32, #tpu.memory_space<vmem_shared>>)
      } else {
      }
      %add3A_131 = arith.constant 1 : i32
      %add3A_132 = arith.addi %mul3A_116, %add3A_131 : i32
      %dma_start3A_133 = arith.constant 0 : i32
      %dma_start3A_134 = tpu.memref_slice %arg6[%add3A_132, %dma_start3A_133] : memref<79x128xi32, #tpu.memory_space<vmem>> -> memref<1x128xi32, #tpu.memory_space<vmem>>
      %dma_start3A_135 = tpu.memref_squeeze %dma_start3A_134 : memref<1x128xi32, #tpu.memory_space<vmem>> -> memref<128xi32, #tpu.memory_space<vmem>>
      %dma_start3A_136 = arith.constant 0 : i32
      %dma_start3A_137 = arith.constant 0 : i32
      %dma_start3A_138 = tpu.memref_slice %arg9[%dma_start3A_136, %dma_start3A_137] : memref<10240x16xf32, #tpu.memory_space<vmem_shared>> -> memref<10240x16xf32, #tpu.memory_space<vmem_shared>>
      tpu.enqueue_indirect_dma source(%arg7 : memref<128x16xf32, #tpu.memory_space<vmem>>) target(%dma_start3A_138 : memref<10240x16xf32, #tpu.memory_space<vmem_shared>>) offsets(%dma_start3A_135 : memref<128xi32, #tpu.memory_space<vmem>>) semaphore(%arg11 : memref<!tpu.dma_semaphore, #tpu.memory_space<semaphore_mem>>) {add = true}
    }
    %while3A_82 = arith.constant 1 : i32
    scf.for %while3A_114 = %while3A_80 to %while3A_76 step %while3A_82  : i32 {
      %mul3A_115 = arith.constant 2 : i32
      %mul3A_116 = arith.muli %mul3A_115, %while3A_114 : i32
      %gt3A = arith.constant 0 : i32
      %gt3A_117 = arith.cmpi sgt, %while3A_114, %gt3A : i32
      %convert_element_type3A_118 = arith.extui %gt3A_117 : i1 to i32
      %cond3A_119 = arith.constant 0 : i32
      %cond3A_120 = arith.cmpi ne, %convert_element_type3A_118, %cond3A_119 : i32
      scf.if %cond3A_120 {
        %dma_wait3A_139 = arith.constant 0 : i32
        %dma_wait3A_140 = arith.constant 0 : i32
        %dma_wait3A_141 = tpu.memref_slice %arg6[%dma_wait3A_139, %dma_wait3A_140] : memref<79x128xi32, #tpu.memory_space<vmem>> -> memref<1x128xi32, #tpu.memory_space<vmem>>
        %dma_wait3A_142 = tpu.memref_squeeze %dma_wait3A_141 : memref<1x128xi32, #tpu.memory_space<vmem>> -> memref<128xi32, #tpu.memory_space<vmem>>
        %dma_wait3A_143 = arith.constant 0 : i32
        %dma_wait3A_144 = arith.constant 0 : i32
        %dma_wait3A_145 = tpu.memref_slice %arg9[%dma_wait3A_143, %dma_wait3A_144] : memref<10240x16xf32, #tpu.memory_space<vmem_shared>> -> memref<10240x16xf32, #tpu.memory_space<vmem_shared>>
        tpu.wait_indirect_dma semaphore(%arg10 : memref<!tpu.dma_semaphore, #tpu.memory_space<semaphore_mem>>) src(%arg7 : memref<128x16xf32, #tpu.memory_space<vmem>>) dst(%dma_wait3A_145 : memref<10240x16xf32, #tpu.memory_space<vmem_shared>>)
      } else {
      }
      %dma_start3A = arith.constant 0 : i32
      %dma_start3A_121 = tpu.memref_slice %arg6[%mul3A_116, %dma_start3A] : memref<79x128xi32, #tpu.memory_space<vmem>> -> memref<1x128xi32, #tpu.memory_space<vmem>>
      %dma_start3A_122 = tpu.memref_squeeze %dma_start3A_121 : memref<1x128xi32, #tpu.memory_space<vmem>> -> memref<128xi32, #tpu.memory_space<vmem>>
      %dma_start3A_123 = arith.constant 0 : i32
      %dma_start3A_124 = arith.constant 0 : i32
      %dma_start3A_125 = tpu.memref_slice %arg9[%dma_start3A_123, %dma_start3A_124] : memref<10240x16xf32, #tpu.memory_space<vmem_shared>> -> memref<10240x16xf32, #tpu.memory_space<vmem_shared>>
      tpu.enqueue_indirect_dma source(%arg7 : memref<128x16xf32, #tpu.memory_space<vmem>>) target(%dma_start3A_125 : memref<10240x16xf32, #tpu.memory_space<vmem_shared>>) offsets(%dma_start3A_122 : memref<128xi32, #tpu.memory_space<vmem>>) semaphore(%arg10 : memref<!tpu.dma_semaphore, #tpu.memory_space<semaphore_mem>>) {add = true}
      %gt3A_126 = arith.constant 0 : i32
      %gt3A_127 = arith.cmpi sgt, %while3A_114, %gt3A_126 : i32
      %convert_element_type3A_128 = arith.extui %gt3A_127 : i1 to i32
      %cond3A_129 = arith.constant 0 : i32
      %cond3A_130 = arith.cmpi ne, %convert_element_type3A_128, %cond3A_129 : i32
      scf.if %cond3A_130 {
        %dma_wait3A_139 = arith.constant 0 : i32
        %dma_wait3A_140 = arith.constant 0 : i32
        %dma_wait3A_141 = tpu.memref_slice %arg6[%dma_wait3A_139, %dma_wait3A_140] : memref<79x128xi32, #tpu.memory_space<vmem>> -> memref<1x128xi32, #tpu.memory_space<vmem>>
        %dma_wait3A_142 = tpu.memref_squeeze %dma_wait3A_141 : memref<1x128xi32, #tpu.memory_space<vmem>> -> memref<128xi32, #tpu.memory_space<vmem>>
        %dma_wait3A_143 = arith.constant 0 : i32
        %dma_wait3A_144 = arith.constant 0 : i32
        %dma_wait3A_145 = tpu.memref_slice %arg9[%dma_wait3A_143, %dma_wait3A_144] : memref<10240x16xf32, #tpu.memory_space<vmem_shared>> -> memref<10240x16xf32, #tpu.memory_space<vmem_shared>>
        tpu.wait_indirect_dma semaphore(%arg11 : memref<!tpu.dma_semaphore, #tpu.memory_space<semaphore_mem>>) src(%arg7 : memref<128x16xf32, #tpu.memory_space<vmem>>) dst(%dma_wait3A_145 : memref<10240x16xf32, #tpu.memory_space<vmem_shared>>)
      } else {
      }
      %add3A_131 = arith.constant 1 : i32
      %add3A_132 = arith.addi %mul3A_116, %add3A_131 : i32
      %dma_start3A_133 = arith.constant 0 : i32
      %dma_start3A_134 = tpu.memref_slice %arg6[%add3A_132, %dma_start3A_133] : memref<79x128xi32, #tpu.memory_space<vmem>> -> memref<1x128xi32, #tpu.memory_space<vmem>>
      %dma_start3A_135 = tpu.memref_squeeze %dma_start3A_134 : memref<1x128xi32, #tpu.memory_space<vmem>> -> memref<128xi32, #tpu.memory_space<vmem>>
      %dma_start3A_136 = arith.constant 0 : i32
      %dma_start3A_137 = arith.constant 0 : i32
      %dma_start3A_138 = tpu.memref_slice %arg9[%dma_start3A_136, %dma_start3A_137] : memref<10240x16xf32, #tpu.memory_space<vmem_shared>> -> memref<10240x16xf32, #tpu.memory_space<vmem_shared>>
      tpu.enqueue_indirect_dma source(%arg7 : memref<128x16xf32, #tpu.memory_space<vmem>>) target(%dma_start3A_138 : memref<10240x16xf32, #tpu.memory_space<vmem_shared>>) offsets(%dma_start3A_135 : memref<128xi32, #tpu.memory_space<vmem>>) semaphore(%arg11 : memref<!tpu.dma_semaphore, #tpu.memory_space<semaphore_mem>>) {add = true}
    }
    %jit3A_83 = arith.constant 2 : i32
    %eq3A = arith.constant 0 : i32
    %eq3A_84 = arith.cmpi eq, %jit3A_83, %eq3A : i32
    %jit3A_85 = arith.constant 1 : i32
    %select_n3A_86 = arith.select %eq3A_84, %jit3A_85, %jit3A_83 : i32
    %rem3A_87 = arith.remsi %sub3A_49, %select_n3A_86 : i32
    %ne3A_88 = arith.constant 0 : i32
    %ne3A_89 = arith.cmpi ne, %rem3A_87, %ne3A_88 : i32
    %lt3A = arith.constant 0 : i32
    %lt3A_90 = arith.cmpi slt, %rem3A_87, %lt3A : i32
    %lt3A_91 = arith.constant 0 : i32
    %lt3A_92 = arith.cmpi slt, %select_n3A_86, %lt3A_91 : i32
    %ne3A_93 = arith.xori %lt3A_90, %lt3A_92 : i1
    %and3A_94 = arith.andi %ne3A_93, %ne3A_89 : i1
    %add3A_95 = arith.addi %rem3A_87, %select_n3A_86 : i32
    %select_n3A_96 = arith.select %and3A_94, %add3A_95, %rem3A_87 : i32
    %eq3A_97 = arith.constant 1 : i32
    %eq3A_98 = arith.cmpi eq, %select_n3A_96, %eq3A_97 : i32
    %convert_element_type3A = arith.extui %eq3A_98 : i1 to i32
    %cond3A = arith.constant 0 : i32
    %cond3A_99 = arith.cmpi ne, %convert_element_type3A, %cond3A : i32
    scf.if %cond3A_99 {
      %dma_wait3A_114 = arith.constant 0 : i32
      %dma_wait3A_115 = arith.constant 0 : i32
      %dma_wait3A_116 = tpu.memref_slice %arg6[%dma_wait3A_114, %dma_wait3A_115] : memref<79x128xi32, #tpu.memory_space<vmem>> -> memref<1x128xi32, #tpu.memory_space<vmem>>
      %dma_wait3A_117 = tpu.memref_squeeze %dma_wait3A_116 : memref<1x128xi32, #tpu.memory_space<vmem>> -> memref<128xi32, #tpu.memory_space<vmem>>
      %dma_wait3A_118 = arith.constant 0 : i32
      %dma_wait3A_119 = arith.constant 0 : i32
      %dma_wait3A_120 = tpu.memref_slice %arg9[%dma_wait3A_118, %dma_wait3A_119] : memref<10240x16xf32, #tpu.memory_space<vmem_shared>> -> memref<10240x16xf32, #tpu.memory_space<vmem_shared>>
      tpu.wait_indirect_dma semaphore(%arg10 : memref<!tpu.dma_semaphore, #tpu.memory_space<semaphore_mem>>) src(%arg7 : memref<128x16xf32, #tpu.memory_space<vmem>>) dst(%dma_wait3A_120 : memref<10240x16xf32, #tpu.memory_space<vmem_shared>>)
      %sub3A_121 = arith.constant 1 : i32
      %sub3A_122 = arith.subi %sub3A_49, %sub3A_121 : i32
      %dma_start3A = arith.constant 0 : i32
      %dma_start3A_123 = tpu.memref_slice %arg6[%sub3A_122, %dma_start3A] : memref<79x128xi32, #tpu.memory_space<vmem>> -> memref<1x128xi32, #tpu.memory_space<vmem>>
      %dma_start3A_124 = tpu.memref_squeeze %dma_start3A_123 : memref<1x128xi32, #tpu.memory_space<vmem>> -> memref<128xi32, #tpu.memory_space<vmem>>
      %dma_start3A_125 = arith.constant 0 : i32
      %dma_start3A_126 = arith.constant 0 : i32
      %dma_start3A_127 = tpu.memref_slice %arg9[%dma_start3A_125, %dma_start3A_126] : memref<10240x16xf32, #tpu.memory_space<vmem_shared>> -> memref<10240x16xf32, #tpu.memory_space<vmem_shared>>
      tpu.enqueue_indirect_dma source(%arg7 : memref<128x16xf32, #tpu.memory_space<vmem>>) target(%dma_start3A_127 : memref<10240x16xf32, #tpu.memory_space<vmem_shared>>) offsets(%dma_start3A_124 : memref<128xi32, #tpu.memory_space<vmem>>) semaphore(%arg10 : memref<!tpu.dma_semaphore, #tpu.memory_space<semaphore_mem>>) {add = true}
    } else {
    }
    %dma_wait3A = arith.constant 0 : i32
    %dma_wait3A_100 = arith.constant 0 : i32
    %dma_wait3A_101 = tpu.memref_slice %arg6[%dma_wait3A, %dma_wait3A_100] : memref<79x128xi32, #tpu.memory_space<vmem>> -> memref<1x128xi32, #tpu.memory_space<vmem>>
    %dma_wait3A_102 = tpu.memref_squeeze %dma_wait3A_101 : memref<1x128xi32, #tpu.memory_space<vmem>> -> memref<128xi32, #tpu.memory_space<vmem>>
    %dma_wait3A_103 = arith.constant 0 : i32
    %dma_wait3A_104 = arith.constant 0 : i32
    %dma_wait3A_105 = tpu.memref_slice %arg9[%dma_wait3A_103, %dma_wait3A_104] : memref<10240x16xf32, #tpu.memory_space<vmem_shared>> -> memref<10240x16xf32, #tpu.memory_space<vmem_shared>>
    tpu.wait_indirect_dma semaphore(%arg10 : memref<!tpu.dma_semaphore, #tpu.memory_space<semaphore_mem>>) src(%arg7 : memref<128x16xf32, #tpu.memory_space<vmem>>) dst(%dma_wait3A_105 : memref<10240x16xf32, #tpu.memory_space<vmem_shared>>)
    %dma_wait3A_106 = arith.constant 0 : i32
    %dma_wait3A_107 = arith.constant 0 : i32
    %dma_wait3A_108 = tpu.memref_slice %arg6[%dma_wait3A_106, %dma_wait3A_107] : memref<79x128xi32, #tpu.memory_space<vmem>> -> memref<1x128xi32, #tpu.memory_space<vmem>>
    %dma_wait3A_109 = tpu.memref_squeeze %dma_wait3A_108 : memref<1x128xi32, #tpu.memory_space<vmem>> -> memref<128xi32, #tpu.memory_space<vmem>>
    %dma_wait3A_110 = arith.constant 0 : i32
    %dma_wait3A_111 = arith.constant 0 : i32
    %dma_wait3A_112 = tpu.memref_slice %arg9[%dma_wait3A_110, %dma_wait3A_111] : memref<10240x16xf32, #tpu.memory_space<vmem_shared>> -> memref<10240x16xf32, #tpu.memory_space<vmem_shared>>
    tpu.wait_indirect_dma semaphore(%arg11 : memref<!tpu.dma_semaphore, #tpu.memory_space<semaphore_mem>>) src(%arg7 : memref<128x16xf32, #tpu.memory_space<vmem>>) dst(%dma_wait3A_112 : memref<10240x16xf32, #tpu.memory_space<vmem_shared>>)
    %barrier3A_113 = arith.constant 0 : index
    tpu.barrier barrier_id(%barrier3A_113)
    "tpu.region"() ({
      %run_scoped3A_114 = tpu.sem_alloc : memref<!tpu.dma_semaphore, #tpu.memory_space<semaphore_mem>>
      %dma_start3A = arith.constant 0 : i32
      %dma_start3A_115 = tpu.memref_slice %arg9[%mul3A_2, %dma_start3A] : memref<10240x16xf32, #tpu.memory_space<vmem_shared>> -> memref<640x16xf32, #tpu.memory_space<vmem_shared>>
      %dma_start3A_116 = arith.constant 0 : i32
      %dma_start3A_117 = tpu.memref_slice %arg9[%mul3A_2, %dma_start3A_116] : memref<10240x16xf32, #tpu.memory_space<vmem_shared>> -> memref<640x16xf32, #tpu.memory_space<vmem_shared>>
      tpu.enqueue_dma source(%dma_start3A_117 : memref<640x16xf32, #tpu.memory_space<vmem_shared>>) target(%arg8 : memref<640x16xf32, #tpu.memory_space<vmem>>) target_semaphore(%run_scoped3A_114 : memref<!tpu.dma_semaphore, #tpu.memory_space<semaphore_mem>>)
      %dma_wait3A_118 = arith.constant 0 : i32
      %dma_wait3A_119 = tpu.memref_slice %arg9[%mul3A_2, %dma_wait3A_118] : memref<10240x16xf32, #tpu.memory_space<vmem_shared>> -> memref<640x16xf32, #tpu.memory_space<vmem_shared>>
      %dma_wait3A_120 = arith.constant 0 : i32
      %dma_wait3A_121 = tpu.memref_slice %arg9[%mul3A_2, %dma_wait3A_120] : memref<10240x16xf32, #tpu.memory_space<vmem_shared>> -> memref<640x16xf32, #tpu.memory_space<vmem_shared>>
      tpu.wait_dma2 semaphore(%run_scoped3A_114 : memref<!tpu.dma_semaphore, #tpu.memory_space<semaphore_mem>>) src(%dma_wait3A_121 : memref<640x16xf32, #tpu.memory_space<vmem_shared>>) dst(%arg8 : memref<640x16xf32, #tpu.memory_space<vmem>>)
      tpu.yield
    }) : () -> ()
    "tpu.region"() ({
      %run_scoped3A_114 = tpu.sem_alloc : memref<!tpu.dma_semaphore, #tpu.memory_space<semaphore_mem>>
      %dma_start3A = arith.constant 0 : i32
      %dma_start3A_115 = tpu.memref_slice %arg5[%arg0, %mul3A_2, %dma_start3A] : memref<2x10240x16xf32, #tpu.memory_space<hbm>> -> memref<1x640x16xf32, #tpu.memory_space<hbm>>
      %dma_start3A_116 = tpu.memref_squeeze %dma_start3A_115 : memref<1x640x16xf32, #tpu.memory_space<hbm>> -> memref<640x16xf32, #tpu.memory_space<hbm>>
      %dma_start3A_117 = arith.constant 0 : i32
      %dma_start3A_118 = tpu.memref_slice %arg5[%arg0, %mul3A_2, %dma_start3A_117] : memref<2x10240x16xf32, #tpu.memory_space<hbm>> -> memref<1x640x16xf32, #tpu.memory_space<hbm>>
      %dma_start3A_119 = tpu.memref_squeeze %dma_start3A_118 : memref<1x640x16xf32, #tpu.memory_space<hbm>> -> memref<640x16xf32, #tpu.memory_space<hbm>>
      tpu.enqueue_dma source(%arg8 : memref<640x16xf32, #tpu.memory_space<vmem>>) target(%dma_start3A_119 : memref<640x16xf32, #tpu.memory_space<hbm>>) target_semaphore(%run_scoped3A_114 : memref<!tpu.dma_semaphore, #tpu.memory_space<semaphore_mem>>)
      %dma_wait3A_120 = arith.constant 0 : i32
      %dma_wait3A_121 = tpu.memref_slice %arg5[%arg0, %mul3A_2, %dma_wait3A_120] : memref<2x10240x16xf32, #tpu.memory_space<hbm>> -> memref<1x640x16xf32, #tpu.memory_space<hbm>>
      %dma_wait3A_122 = tpu.memref_squeeze %dma_wait3A_121 : memref<1x640x16xf32, #tpu.memory_space<hbm>> -> memref<640x16xf32, #tpu.memory_space<hbm>>
      %dma_wait3A_123 = arith.constant 0 : i32
      %dma_wait3A_124 = tpu.memref_slice %arg5[%arg0, %mul3A_2, %dma_wait3A_123] : memref<2x10240x16xf32, #tpu.memory_space<hbm>> -> memref<1x640x16xf32, #tpu.memory_space<hbm>>
      %dma_wait3A_125 = tpu.memref_squeeze %dma_wait3A_124 : memref<1x640x16xf32, #tpu.memory_space<hbm>> -> memref<640x16xf32, #tpu.memory_space<hbm>>
      tpu.wait_dma2 semaphore(%run_scoped3A_114 : memref<!tpu.dma_semaphore, #tpu.memory_space<semaphore_mem>>) src(%arg8 : memref<640x16xf32, #tpu.memory_space<vmem>>) dst(%dma_wait3A_125 : memref<640x16xf32, #tpu.memory_space<hbm>>)
      tpu.yield
    }) : () -> ()
    return
  }
}

#map = affine_map<(d0, d1) -> (0, 0)>
#map1 = affine_map<(d0, d1) -> (0, 0, 0)>
module attributes {stable_mosaic.version = 14 : i64} {
  func.func @body(%arg0: i32, %arg1: i32, %arg2: memref<10240x64xf32, #tpu.memory_space<hbm>>, %arg3: memref<2x2500x128xi32, #tpu.memory_space<hbm>>, %arg4: memref<10240x32xf32, #tpu.memory_space<hbm>>, %arg5: memref<10240x64xf32, #tpu.memory_space<hbm>>, %arg6: memref<157x128xi32, #tpu.memory_space<vmem>>, %arg7: memref<157x128xi32, #tpu.memory_space<vmem>>, %arg8: memref<128x32xf32, #tpu.memory_space<vmem>>, %arg9: memref<128x32xf32, #tpu.memory_space<vmem>>, %arg10: memref<10240x32xf32, #tpu.memory_space<vmem_shared>>, %arg11: memref<10240x32xf32, #tpu.memory_space<vmem_shared>>, %arg12: memref<!tpu.dma_semaphore, #tpu.memory_space<semaphore_mem>>, %arg13: memref<!tpu.dma_semaphore, #tpu.memory_space<semaphore_mem>>, %arg14: memref<!tpu.dma_semaphore, #tpu.memory_space<semaphore_mem>>, %arg15: memref<!tpu.dma_semaphore, #tpu.memory_space<semaphore_mem>>) attributes {dimension_semantics = [#tpu.dimension_semantics<core_parallel>, #tpu.dimension_semantics<subcore_parallel>], iteration_bounds = array<i64: 2, 16>, scalar_prefetch = 0 : i64, scratch_operands = 10 : i64, tpu.core_type = #tpu.core_type<sc_vector_subcore>, window_params = [{transform_indices = #map}, {transform_indices = #map1}, {transform_indices = #map}, {transform_indices = #map}]} {
    %mul3A = arith.constant 32 : i32
    %mul3A_0 = arith.muli %arg0, %mul3A : i32
    %mul3A_1 = arith.constant 2500 : i32
    %mul3A_2 = arith.muli %mul3A_1, %arg1 : i32
    %jit3A = arith.constant 16 : i32
    %div3A = arith.divsi %mul3A_2, %jit3A : i32
    %sign3A = arith.constant 0 : i32
    %sign3A_3 = arith.cmpi sgt, %mul3A_2, %sign3A : i32
    %sign3A_4 = arith.extui %sign3A_3 : i1 to i32
    %sign3A_5 = arith.constant 0 : i32
    %sign3A_6 = arith.cmpi slt, %mul3A_2, %sign3A_5 : i32
    %sign3A_7 = arith.extui %sign3A_6 : i1 to i32
    %sign3A_8 = arith.subi %sign3A_4, %sign3A_7 : i32
    %sign3A_9 = arith.constant 0 : i32
    %sign3A_10 = arith.cmpi sgt, %jit3A, %sign3A_9 : i32
    %sign3A_11 = arith.extui %sign3A_10 : i1 to i32
    %sign3A_12 = arith.constant 0 : i32
    %sign3A_13 = arith.cmpi slt, %jit3A, %sign3A_12 : i32
    %sign3A_14 = arith.extui %sign3A_13 : i1 to i32
    %sign3A_15 = arith.subi %sign3A_11, %sign3A_14 : i32
    %ne3A = arith.cmpi ne, %sign3A_8, %sign3A_15 : i32
    %rem3A = arith.remsi %mul3A_2, %jit3A : i32
    %ne3A_16 = arith.constant 0 : i32
    %ne3A_17 = arith.cmpi ne, %rem3A, %ne3A_16 : i32
    %and3A = arith.andi %ne3A, %ne3A_17 : i1
    %sub3A = arith.constant 1 : i32
    %sub3A_18 = arith.subi %div3A, %sub3A : i32
    %select_n3A = arith.select %and3A, %sub3A_18, %div3A : i32
    %add3A = arith.constant 1 : i32
    %add3A_19 = arith.addi %arg1, %add3A : i32
    %mul3A_20 = arith.constant 2500 : i32
    %mul3A_21 = arith.muli %mul3A_20, %add3A_19 : i32
    %jit3A_22 = arith.constant 16 : i32
    %div3A_23 = arith.divsi %mul3A_21, %jit3A_22 : i32
    %sign3A_24 = arith.constant 0 : i32
    %sign3A_25 = arith.cmpi sgt, %mul3A_21, %sign3A_24 : i32
    %sign3A_26 = arith.extui %sign3A_25 : i1 to i32
    %sign3A_27 = arith.constant 0 : i32
    %sign3A_28 = arith.cmpi slt, %mul3A_21, %sign3A_27 : i32
    %sign3A_29 = arith.extui %sign3A_28 : i1 to i32
    %sign3A_30 = arith.subi %sign3A_26, %sign3A_29 : i32
    %sign3A_31 = arith.constant 0 : i32
    %sign3A_32 = arith.cmpi sgt, %jit3A_22, %sign3A_31 : i32
    %sign3A_33 = arith.extui %sign3A_32 : i1 to i32
    %sign3A_34 = arith.constant 0 : i32
    %sign3A_35 = arith.cmpi slt, %jit3A_22, %sign3A_34 : i32
    %sign3A_36 = arith.extui %sign3A_35 : i1 to i32
    %sign3A_37 = arith.subi %sign3A_33, %sign3A_36 : i32
    %ne3A_38 = arith.cmpi ne, %sign3A_30, %sign3A_37 : i32
    %rem3A_39 = arith.remsi %mul3A_21, %jit3A_22 : i32
    %ne3A_40 = arith.constant 0 : i32
    %ne3A_41 = arith.cmpi ne, %rem3A_39, %ne3A_40 : i32
    %and3A_42 = arith.andi %ne3A_38, %ne3A_41 : i1
    %sub3A_43 = arith.constant 1 : i32
    %sub3A_44 = arith.subi %div3A_23, %sub3A_43 : i32
    %select_n3A_45 = arith.select %and3A_42, %sub3A_44, %div3A_23 : i32
    %sub3A_46 = arith.subi %select_n3A_45, %select_n3A : i32
    %eq3A = arith.constant 0 : i32
    %eq3A_47 = arith.cmpi eq, %arg1, %eq3A : i32
    %convert_element_type3A = arith.extui %eq3A_47 : i1 to i32
    %cond3A = arith.constant 0 : i32
    %cond3A_48 = arith.cmpi ne, %convert_element_type3A, %cond3A : i32
    scf.if %cond3A_48 {
      "tpu.region"() ({
        %run_scoped3A_122 = tpu.sem_alloc : memref<!tpu.dma_semaphore, #tpu.memory_space<semaphore_mem>>
        tpu.enqueue_dma source(%arg4 : memref<10240x32xf32, #tpu.memory_space<hbm>>) target(%arg11 : memref<10240x32xf32, #tpu.memory_space<vmem_shared>>) target_semaphore(%run_scoped3A_122 : memref<!tpu.dma_semaphore, #tpu.memory_space<semaphore_mem>>)
        tpu.wait_dma2 semaphore(%run_scoped3A_122 : memref<!tpu.dma_semaphore, #tpu.memory_space<semaphore_mem>>) src(%arg4 : memref<10240x32xf32, #tpu.memory_space<hbm>>) dst(%arg11 : memref<10240x32xf32, #tpu.memory_space<vmem_shared>>)
        tpu.yield
      }) : () -> ()
      "tpu.region"() ({
        %run_scoped3A_122 = tpu.sem_alloc : memref<!tpu.dma_semaphore, #tpu.memory_space<semaphore_mem>>
        %dma_start3A = arith.constant 0 : i32
        %dma_start3A_123 = tpu.memref_slice %arg2[%dma_start3A, %mul3A_0] : memref<10240x64xf32, #tpu.memory_space<hbm>> -> memref<10240x32xf32, #tpu.memory_space<hbm>>
        tpu.enqueue_dma source(%dma_start3A_123 : memref<10240x32xf32, #tpu.memory_space<hbm>>) target(%arg10 : memref<10240x32xf32, #tpu.memory_space<vmem_shared>>) target_semaphore(%run_scoped3A_122 : memref<!tpu.dma_semaphore, #tpu.memory_space<semaphore_mem>>)
        %dma_wait3A_124 = arith.constant 0 : i32
        %dma_wait3A_125 = tpu.memref_slice %arg2[%dma_wait3A_124, %mul3A_0] : memref<10240x64xf32, #tpu.memory_space<hbm>> -> memref<10240x32xf32, #tpu.memory_space<hbm>>
        tpu.wait_dma2 semaphore(%run_scoped3A_122 : memref<!tpu.dma_semaphore, #tpu.memory_space<semaphore_mem>>) src(%dma_wait3A_125 : memref<10240x32xf32, #tpu.memory_space<hbm>>) dst(%arg10 : memref<10240x32xf32, #tpu.memory_space<vmem_shared>>)
        tpu.yield
      }) : () -> ()
    } else {
    }
    %run_scoped3A = arith.constant 0 : i32
    "tpu.region"() ({
      %run_scoped3A_122 = tpu.sem_alloc : memref<!tpu.dma_semaphore, #tpu.memory_space<semaphore_mem>>
      %dma_start3A = arith.constant 0 : i32
      %dma_start3A_123 = tpu.memref_slice %arg3[%run_scoped3A, %select_n3A, %dma_start3A] : memref<2x2500x128xi32, #tpu.memory_space<hbm>> -> memref<1x157x128xi32, #tpu.memory_space<hbm>>
      %dma_start3A_124 = tpu.memref_squeeze %dma_start3A_123 : memref<1x157x128xi32, #tpu.memory_space<hbm>> -> memref<157x128xi32, #tpu.memory_space<hbm>>
      %dma_start3A_125 = arith.constant 0 : i32
      %dma_start3A_126 = tpu.memref_slice %arg3[%run_scoped3A, %select_n3A, %dma_start3A_125] : memref<2x2500x128xi32, #tpu.memory_space<hbm>> -> memref<1x157x128xi32, #tpu.memory_space<hbm>>
      %dma_start3A_127 = tpu.memref_squeeze %dma_start3A_126 : memref<1x157x128xi32, #tpu.memory_space<hbm>> -> memref<157x128xi32, #tpu.memory_space<hbm>>
      tpu.enqueue_dma source(%dma_start3A_127 : memref<157x128xi32, #tpu.memory_space<hbm>>) target(%arg6 : memref<157x128xi32, #tpu.memory_space<vmem>>) target_semaphore(%run_scoped3A_122 : memref<!tpu.dma_semaphore, #tpu.memory_space<semaphore_mem>>)
      %dma_wait3A_128 = arith.constant 0 : i32
      %dma_wait3A_129 = tpu.memref_slice %arg3[%run_scoped3A, %select_n3A, %dma_wait3A_128] : memref<2x2500x128xi32, #tpu.memory_space<hbm>> -> memref<1x157x128xi32, #tpu.memory_space<hbm>>
      %dma_wait3A_130 = tpu.memref_squeeze %dma_wait3A_129 : memref<1x157x128xi32, #tpu.memory_space<hbm>> -> memref<157x128xi32, #tpu.memory_space<hbm>>
      %dma_wait3A_131 = arith.constant 0 : i32
      %dma_wait3A_132 = tpu.memref_slice %arg3[%run_scoped3A, %select_n3A, %dma_wait3A_131] : memref<2x2500x128xi32, #tpu.memory_space<hbm>> -> memref<1x157x128xi32, #tpu.memory_space<hbm>>
      %dma_wait3A_133 = tpu.memref_squeeze %dma_wait3A_132 : memref<1x157x128xi32, #tpu.memory_space<hbm>> -> memref<157x128xi32, #tpu.memory_space<hbm>>
      tpu.wait_dma2 semaphore(%run_scoped3A_122 : memref<!tpu.dma_semaphore, #tpu.memory_space<semaphore_mem>>) src(%dma_wait3A_133 : memref<157x128xi32, #tpu.memory_space<hbm>>) dst(%arg6 : memref<157x128xi32, #tpu.memory_space<vmem>>)
      tpu.yield
    }) : () -> ()
    %run_scoped3A_49 = arith.constant 1 : i32
    "tpu.region"() ({
      %run_scoped3A_122 = tpu.sem_alloc : memref<!tpu.dma_semaphore, #tpu.memory_space<semaphore_mem>>
      %dma_start3A = arith.constant 0 : i32
      %dma_start3A_123 = tpu.memref_slice %arg3[%run_scoped3A_49, %select_n3A, %dma_start3A] : memref<2x2500x128xi32, #tpu.memory_space<hbm>> -> memref<1x157x128xi32, #tpu.memory_space<hbm>>
      %dma_start3A_124 = tpu.memref_squeeze %dma_start3A_123 : memref<1x157x128xi32, #tpu.memory_space<hbm>> -> memref<157x128xi32, #tpu.memory_space<hbm>>
      %dma_start3A_125 = arith.constant 0 : i32
      %dma_start3A_126 = tpu.memref_slice %arg3[%run_scoped3A_49, %select_n3A, %dma_start3A_125] : memref<2x2500x128xi32, #tpu.memory_space<hbm>> -> memref<1x157x128xi32, #tpu.memory_space<hbm>>
      %dma_start3A_127 = tpu.memref_squeeze %dma_start3A_126 : memref<1x157x128xi32, #tpu.memory_space<hbm>> -> memref<157x128xi32, #tpu.memory_space<hbm>>
      tpu.enqueue_dma source(%dma_start3A_127 : memref<157x128xi32, #tpu.memory_space<hbm>>) target(%arg7 : memref<157x128xi32, #tpu.memory_space<vmem>>) target_semaphore(%run_scoped3A_122 : memref<!tpu.dma_semaphore, #tpu.memory_space<semaphore_mem>>)
      %dma_wait3A_128 = arith.constant 0 : i32
      %dma_wait3A_129 = tpu.memref_slice %arg3[%run_scoped3A_49, %select_n3A, %dma_wait3A_128] : memref<2x2500x128xi32, #tpu.memory_space<hbm>> -> memref<1x157x128xi32, #tpu.memory_space<hbm>>
      %dma_wait3A_130 = tpu.memref_squeeze %dma_wait3A_129 : memref<1x157x128xi32, #tpu.memory_space<hbm>> -> memref<157x128xi32, #tpu.memory_space<hbm>>
      %dma_wait3A_131 = arith.constant 0 : i32
      %dma_wait3A_132 = tpu.memref_slice %arg3[%run_scoped3A_49, %select_n3A, %dma_wait3A_131] : memref<2x2500x128xi32, #tpu.memory_space<hbm>> -> memref<1x157x128xi32, #tpu.memory_space<hbm>>
      %dma_wait3A_133 = tpu.memref_squeeze %dma_wait3A_132 : memref<1x157x128xi32, #tpu.memory_space<hbm>> -> memref<157x128xi32, #tpu.memory_space<hbm>>
      tpu.wait_dma2 semaphore(%run_scoped3A_122 : memref<!tpu.dma_semaphore, #tpu.memory_space<semaphore_mem>>) src(%dma_wait3A_133 : memref<157x128xi32, #tpu.memory_space<hbm>>) dst(%arg7 : memref<157x128xi32, #tpu.memory_space<vmem>>)
      tpu.yield
    }) : () -> ()
    %barrier3A = arith.constant 0 : index
    tpu.barrier barrier_id(%barrier3A)
    %jit3A_50 = arith.constant 2 : i32
    %div3A_51 = arith.divsi %sub3A_46, %jit3A_50 : i32
    %sign3A_52 = arith.constant 0 : i32
    %sign3A_53 = arith.cmpi sgt, %sub3A_46, %sign3A_52 : i32
    %sign3A_54 = arith.extui %sign3A_53 : i1 to i32
    %sign3A_55 = arith.constant 0 : i32
    %sign3A_56 = arith.cmpi slt, %sub3A_46, %sign3A_55 : i32
    %sign3A_57 = arith.extui %sign3A_56 : i1 to i32
    %sign3A_58 = arith.subi %sign3A_54, %sign3A_57 : i32
    %sign3A_59 = arith.constant 0 : i32
    %sign3A_60 = arith.cmpi sgt, %jit3A_50, %sign3A_59 : i32
    %sign3A_61 = arith.extui %sign3A_60 : i1 to i32
    %sign3A_62 = arith.constant 0 : i32
    %sign3A_63 = arith.cmpi slt, %jit3A_50, %sign3A_62 : i32
    %sign3A_64 = arith.extui %sign3A_63 : i1 to i32
    %sign3A_65 = arith.subi %sign3A_61, %sign3A_64 : i32
    %ne3A_66 = arith.cmpi ne, %sign3A_58, %sign3A_65 : i32
    %rem3A_67 = arith.remsi %sub3A_46, %jit3A_50 : i32
    %ne3A_68 = arith.constant 0 : i32
    %ne3A_69 = arith.cmpi ne, %rem3A_67, %ne3A_68 : i32
    %and3A_70 = arith.andi %ne3A_66, %ne3A_69 : i1
    %sub3A_71 = arith.constant 1 : i32
    %sub3A_72 = arith.subi %div3A_51, %sub3A_71 : i32
    %select_n3A_73 = arith.select %and3A_70, %sub3A_72, %div3A_51 : i32
    %while3A = arith.constant 0 : i32
    %while3A_74 = arith.constant 0 : i32
    %while3A_75 = arith.subi %select_n3A_73, %while3A_74 : i32
    %while3A_76 = arith.addi %while3A_74, %while3A_75 : i32
    %while3A_77 = arith.constant 1 : i32
    %while3A_78 = arith.divsi %while3A_75, %while3A_77 : i32
    %while3A_79 = arith.muli %while3A_78, %while3A_77 : i32
    %while3A_80 = arith.addi %while3A_74, %while3A_79 : i32
    %while3A_81 = arith.constant 1 : i32
    scf.for %while3A_122 = %while3A_74 to %while3A_80 step %while3A_81  : i32 {
      %mul3A_123 = arith.constant 2 : i32
      %mul3A_124 = arith.muli %mul3A_123, %while3A_122 : i32
      %add3A_125 = arith.constant 1 : i32
      %add3A_126 = arith.addi %mul3A_124, %add3A_125 : i32
      %gt3A = arith.constant 0 : i32
      %gt3A_127 = arith.cmpi sgt, %while3A_122, %gt3A : i32
      %convert_element_type3A_128 = arith.extui %gt3A_127 : i1 to i32
      %cond3A_129 = arith.constant 0 : i32
      %cond3A_130 = arith.cmpi ne, %convert_element_type3A_128, %cond3A_129 : i32
      scf.if %cond3A_130 {
        %dma_wait3A_173 = arith.constant 0 : i32
        %dma_wait3A_174 = arith.constant 0 : i32
        %dma_wait3A_175 = tpu.memref_slice %arg7[%dma_wait3A_173, %dma_wait3A_174] : memref<157x128xi32, #tpu.memory_space<vmem>> -> memref<1x128xi32, #tpu.memory_space<vmem>>
        %dma_wait3A_176 = tpu.memref_squeeze %dma_wait3A_175 : memref<1x128xi32, #tpu.memory_space<vmem>> -> memref<128xi32, #tpu.memory_space<vmem>>
        %dma_wait3A_177 = arith.constant 0 : i32
        %dma_wait3A_178 = arith.constant 0 : i32
        %dma_wait3A_179 = tpu.memref_slice %arg11[%dma_wait3A_177, %dma_wait3A_178] : memref<10240x32xf32, #tpu.memory_space<vmem_shared>> -> memref<10240x32xf32, #tpu.memory_space<vmem_shared>>
        tpu.wait_indirect_dma semaphore(%arg14 : memref<!tpu.dma_semaphore, #tpu.memory_space<semaphore_mem>>) src(%arg8 : memref<128x32xf32, #tpu.memory_space<vmem>>) dst(%dma_wait3A_179 : memref<10240x32xf32, #tpu.memory_space<vmem_shared>>)
      } else {
      }
      %dma_start3A = arith.constant 0 : i32
      %dma_start3A_131 = tpu.memref_slice %arg6[%mul3A_124, %dma_start3A] : memref<157x128xi32, #tpu.memory_space<vmem>> -> memref<1x128xi32, #tpu.memory_space<vmem>>
      %dma_start3A_132 = tpu.memref_squeeze %dma_start3A_131 : memref<1x128xi32, #tpu.memory_space<vmem>> -> memref<128xi32, #tpu.memory_space<vmem>>
      %dma_start3A_133 = arith.constant 0 : i32
      %dma_start3A_134 = arith.constant 0 : i32
      %dma_start3A_135 = tpu.memref_slice %arg10[%dma_start3A_133, %dma_start3A_134] : memref<10240x32xf32, #tpu.memory_space<vmem_shared>> -> memref<10240x32xf32, #tpu.memory_space<vmem_shared>>
      tpu.enqueue_indirect_dma source(%dma_start3A_135 : memref<10240x32xf32, #tpu.memory_space<vmem_shared>>) target(%arg8 : memref<128x32xf32, #tpu.memory_space<vmem>>) offsets(%dma_start3A_132 : memref<128xi32, #tpu.memory_space<vmem>>) semaphore(%arg12 : memref<!tpu.dma_semaphore, #tpu.memory_space<semaphore_mem>>)
      %gt3A_136 = arith.constant 0 : i32
      %gt3A_137 = arith.cmpi sgt, %while3A_122, %gt3A_136 : i32
      %convert_element_type3A_138 = arith.extui %gt3A_137 : i1 to i32
      %cond3A_139 = arith.constant 0 : i32
      %cond3A_140 = arith.cmpi ne, %convert_element_type3A_138, %cond3A_139 : i32
      scf.if %cond3A_140 {
        %dma_wait3A_173 = arith.constant 0 : i32
        %dma_wait3A_174 = arith.constant 0 : i32
        %dma_wait3A_175 = tpu.memref_slice %arg7[%dma_wait3A_173, %dma_wait3A_174] : memref<157x128xi32, #tpu.memory_space<vmem>> -> memref<1x128xi32, #tpu.memory_space<vmem>>
        %dma_wait3A_176 = tpu.memref_squeeze %dma_wait3A_175 : memref<1x128xi32, #tpu.memory_space<vmem>> -> memref<128xi32, #tpu.memory_space<vmem>>
        %dma_wait3A_177 = arith.constant 0 : i32
        %dma_wait3A_178 = arith.constant 0 : i32
        %dma_wait3A_179 = tpu.memref_slice %arg11[%dma_wait3A_177, %dma_wait3A_178] : memref<10240x32xf32, #tpu.memory_space<vmem_shared>> -> memref<10240x32xf32, #tpu.memory_space<vmem_shared>>
        tpu.wait_indirect_dma semaphore(%arg15 : memref<!tpu.dma_semaphore, #tpu.memory_space<semaphore_mem>>) src(%arg9 : memref<128x32xf32, #tpu.memory_space<vmem>>) dst(%dma_wait3A_179 : memref<10240x32xf32, #tpu.memory_space<vmem_shared>>)
      } else {
      }
      %dma_start3A_141 = arith.constant 0 : i32
      %dma_start3A_142 = tpu.memref_slice %arg6[%add3A_126, %dma_start3A_141] : memref<157x128xi32, #tpu.memory_space<vmem>> -> memref<1x128xi32, #tpu.memory_space<vmem>>
      %dma_start3A_143 = tpu.memref_squeeze %dma_start3A_142 : memref<1x128xi32, #tpu.memory_space<vmem>> -> memref<128xi32, #tpu.memory_space<vmem>>
      %dma_start3A_144 = arith.constant 0 : i32
      %dma_start3A_145 = arith.constant 0 : i32
      %dma_start3A_146 = tpu.memref_slice %arg10[%dma_start3A_144, %dma_start3A_145] : memref<10240x32xf32, #tpu.memory_space<vmem_shared>> -> memref<10240x32xf32, #tpu.memory_space<vmem_shared>>
      tpu.enqueue_indirect_dma source(%dma_start3A_146 : memref<10240x32xf32, #tpu.memory_space<vmem_shared>>) target(%arg9 : memref<128x32xf32, #tpu.memory_space<vmem>>) offsets(%dma_start3A_143 : memref<128xi32, #tpu.memory_space<vmem>>) semaphore(%arg13 : memref<!tpu.dma_semaphore, #tpu.memory_space<semaphore_mem>>)
      %dma_wait3A_147 = arith.constant 0 : i32
      %dma_wait3A_148 = arith.constant 0 : i32
      %dma_wait3A_149 = tpu.memref_slice %arg6[%dma_wait3A_147, %dma_wait3A_148] : memref<157x128xi32, #tpu.memory_space<vmem>> -> memref<1x128xi32, #tpu.memory_space<vmem>>
      %dma_wait3A_150 = tpu.memref_squeeze %dma_wait3A_149 : memref<1x128xi32, #tpu.memory_space<vmem>> -> memref<128xi32, #tpu.memory_space<vmem>>
      %dma_wait3A_151 = arith.constant 0 : i32
      %dma_wait3A_152 = arith.constant 0 : i32
      %dma_wait3A_153 = tpu.memref_slice %arg10[%dma_wait3A_151, %dma_wait3A_152] : memref<10240x32xf32, #tpu.memory_space<vmem_shared>> -> memref<10240x32xf32, #tpu.memory_space<vmem_shared>>
      tpu.wait_indirect_dma semaphore(%arg12 : memref<!tpu.dma_semaphore, #tpu.memory_space<semaphore_mem>>) src(%dma_wait3A_153 : memref<10240x32xf32, #tpu.memory_space<vmem_shared>>) dst(%arg8 : memref<128x32xf32, #tpu.memory_space<vmem>>)
      %dma_start3A_154 = arith.constant 0 : i32
      %dma_start3A_155 = tpu.memref_slice %arg7[%mul3A_124, %dma_start3A_154] : memref<157x128xi32, #tpu.memory_space<vmem>> -> memref<1x128xi32, #tpu.memory_space<vmem>>
      %dma_start3A_156 = tpu.memref_squeeze %dma_start3A_155 : memref<1x128xi32, #tpu.memory_space<vmem>> -> memref<128xi32, #tpu.memory_space<vmem>>
      %dma_start3A_157 = arith.constant 0 : i32
      %dma_start3A_158 = arith.constant 0 : i32
      %dma_start3A_159 = tpu.memref_slice %arg11[%dma_start3A_157, %dma_start3A_158] : memref<10240x32xf32, #tpu.memory_space<vmem_shared>> -> memref<10240x32xf32, #tpu.memory_space<vmem_shared>>
      tpu.enqueue_indirect_dma source(%arg8 : memref<128x32xf32, #tpu.memory_space<vmem>>) target(%dma_start3A_159 : memref<10240x32xf32, #tpu.memory_space<vmem_shared>>) offsets(%dma_start3A_156 : memref<128xi32, #tpu.memory_space<vmem>>) semaphore(%arg14 : memref<!tpu.dma_semaphore, #tpu.memory_space<semaphore_mem>>) {add = true}
      %dma_wait3A_160 = arith.constant 0 : i32
      %dma_wait3A_161 = arith.constant 0 : i32
      %dma_wait3A_162 = tpu.memref_slice %arg6[%dma_wait3A_160, %dma_wait3A_161] : memref<157x128xi32, #tpu.memory_space<vmem>> -> memref<1x128xi32, #tpu.memory_space<vmem>>
      %dma_wait3A_163 = tpu.memref_squeeze %dma_wait3A_162 : memref<1x128xi32, #tpu.memory_space<vmem>> -> memref<128xi32, #tpu.memory_space<vmem>>
      %dma_wait3A_164 = arith.constant 0 : i32
      %dma_wait3A_165 = arith.constant 0 : i32
      %dma_wait3A_166 = tpu.memref_slice %arg10[%dma_wait3A_164, %dma_wait3A_165] : memref<10240x32xf32, #tpu.memory_space<vmem_shared>> -> memref<10240x32xf32, #tpu.memory_space<vmem_shared>>
      tpu.wait_indirect_dma semaphore(%arg13 : memref<!tpu.dma_semaphore, #tpu.memory_space<semaphore_mem>>) src(%dma_wait3A_166 : memref<10240x32xf32, #tpu.memory_space<vmem_shared>>) dst(%arg9 : memref<128x32xf32, #tpu.memory_space<vmem>>)
      %dma_start3A_167 = arith.constant 0 : i32
      %dma_start3A_168 = tpu.memref_slice %arg7[%add3A_126, %dma_start3A_167] : memref<157x128xi32, #tpu.memory_space<vmem>> -> memref<1x128xi32, #tpu.memory_space<vmem>>
      %dma_start3A_169 = tpu.memref_squeeze %dma_start3A_168 : memref<1x128xi32, #tpu.memory_space<vmem>> -> memref<128xi32, #tpu.memory_space<vmem>>
      %dma_start3A_170 = arith.constant 0 : i32
      %dma_start3A_171 = arith.constant 0 : i32
      %dma_start3A_172 = tpu.memref_slice %arg11[%dma_start3A_170, %dma_start3A_171] : memref<10240x32xf32, #tpu.memory_space<vmem_shared>> -> memref<10240x32xf32, #tpu.memory_space<vmem_shared>>
      tpu.enqueue_indirect_dma source(%arg9 : memref<128x32xf32, #tpu.memory_space<vmem>>) target(%dma_start3A_172 : memref<10240x32xf32, #tpu.memory_space<vmem_shared>>) offsets(%dma_start3A_169 : memref<128xi32, #tpu.memory_space<vmem>>) semaphore(%arg15 : memref<!tpu.dma_semaphore, #tpu.memory_space<semaphore_mem>>) {add = true}
    }
    %while3A_82 = arith.constant 1 : i32
    scf.for %while3A_122 = %while3A_80 to %while3A_76 step %while3A_82  : i32 {
      %mul3A_123 = arith.constant 2 : i32
      %mul3A_124 = arith.muli %mul3A_123, %while3A_122 : i32
      %add3A_125 = arith.constant 1 : i32
      %add3A_126 = arith.addi %mul3A_124, %add3A_125 : i32
      %gt3A = arith.constant 0 : i32
      %gt3A_127 = arith.cmpi sgt, %while3A_122, %gt3A : i32
      %convert_element_type3A_128 = arith.extui %gt3A_127 : i1 to i32
      %cond3A_129 = arith.constant 0 : i32
      %cond3A_130 = arith.cmpi ne, %convert_element_type3A_128, %cond3A_129 : i32
      scf.if %cond3A_130 {
        %dma_wait3A_173 = arith.constant 0 : i32
        %dma_wait3A_174 = arith.constant 0 : i32
        %dma_wait3A_175 = tpu.memref_slice %arg7[%dma_wait3A_173, %dma_wait3A_174] : memref<157x128xi32, #tpu.memory_space<vmem>> -> memref<1x128xi32, #tpu.memory_space<vmem>>
        %dma_wait3A_176 = tpu.memref_squeeze %dma_wait3A_175 : memref<1x128xi32, #tpu.memory_space<vmem>> -> memref<128xi32, #tpu.memory_space<vmem>>
        %dma_wait3A_177 = arith.constant 0 : i32
        %dma_wait3A_178 = arith.constant 0 : i32
        %dma_wait3A_179 = tpu.memref_slice %arg11[%dma_wait3A_177, %dma_wait3A_178] : memref<10240x32xf32, #tpu.memory_space<vmem_shared>> -> memref<10240x32xf32, #tpu.memory_space<vmem_shared>>
        tpu.wait_indirect_dma semaphore(%arg14 : memref<!tpu.dma_semaphore, #tpu.memory_space<semaphore_mem>>) src(%arg8 : memref<128x32xf32, #tpu.memory_space<vmem>>) dst(%dma_wait3A_179 : memref<10240x32xf32, #tpu.memory_space<vmem_shared>>)
      } else {
      }
      %dma_start3A = arith.constant 0 : i32
      %dma_start3A_131 = tpu.memref_slice %arg6[%mul3A_124, %dma_start3A] : memref<157x128xi32, #tpu.memory_space<vmem>> -> memref<1x128xi32, #tpu.memory_space<vmem>>
      %dma_start3A_132 = tpu.memref_squeeze %dma_start3A_131 : memref<1x128xi32, #tpu.memory_space<vmem>> -> memref<128xi32, #tpu.memory_space<vmem>>
      %dma_start3A_133 = arith.constant 0 : i32
      %dma_start3A_134 = arith.constant 0 : i32
      %dma_start3A_135 = tpu.memref_slice %arg10[%dma_start3A_133, %dma_start3A_134] : memref<10240x32xf32, #tpu.memory_space<vmem_shared>> -> memref<10240x32xf32, #tpu.memory_space<vmem_shared>>
      tpu.enqueue_indirect_dma source(%dma_start3A_135 : memref<10240x32xf32, #tpu.memory_space<vmem_shared>>) target(%arg8 : memref<128x32xf32, #tpu.memory_space<vmem>>) offsets(%dma_start3A_132 : memref<128xi32, #tpu.memory_space<vmem>>) semaphore(%arg12 : memref<!tpu.dma_semaphore, #tpu.memory_space<semaphore_mem>>)
      %gt3A_136 = arith.constant 0 : i32
      %gt3A_137 = arith.cmpi sgt, %while3A_122, %gt3A_136 : i32
      %convert_element_type3A_138 = arith.extui %gt3A_137 : i1 to i32
      %cond3A_139 = arith.constant 0 : i32
      %cond3A_140 = arith.cmpi ne, %convert_element_type3A_138, %cond3A_139 : i32
      scf.if %cond3A_140 {
        %dma_wait3A_173 = arith.constant 0 : i32
        %dma_wait3A_174 = arith.constant 0 : i32
        %dma_wait3A_175 = tpu.memref_slice %arg7[%dma_wait3A_173, %dma_wait3A_174] : memref<157x128xi32, #tpu.memory_space<vmem>> -> memref<1x128xi32, #tpu.memory_space<vmem>>
        %dma_wait3A_176 = tpu.memref_squeeze %dma_wait3A_175 : memref<1x128xi32, #tpu.memory_space<vmem>> -> memref<128xi32, #tpu.memory_space<vmem>>
        %dma_wait3A_177 = arith.constant 0 : i32
        %dma_wait3A_178 = arith.constant 0 : i32
        %dma_wait3A_179 = tpu.memref_slice %arg11[%dma_wait3A_177, %dma_wait3A_178] : memref<10240x32xf32, #tpu.memory_space<vmem_shared>> -> memref<10240x32xf32, #tpu.memory_space<vmem_shared>>
        tpu.wait_indirect_dma semaphore(%arg15 : memref<!tpu.dma_semaphore, #tpu.memory_space<semaphore_mem>>) src(%arg9 : memref<128x32xf32, #tpu.memory_space<vmem>>) dst(%dma_wait3A_179 : memref<10240x32xf32, #tpu.memory_space<vmem_shared>>)
      } else {
      }
      %dma_start3A_141 = arith.constant 0 : i32
      %dma_start3A_142 = tpu.memref_slice %arg6[%add3A_126, %dma_start3A_141] : memref<157x128xi32, #tpu.memory_space<vmem>> -> memref<1x128xi32, #tpu.memory_space<vmem>>
      %dma_start3A_143 = tpu.memref_squeeze %dma_start3A_142 : memref<1x128xi32, #tpu.memory_space<vmem>> -> memref<128xi32, #tpu.memory_space<vmem>>
      %dma_start3A_144 = arith.constant 0 : i32
      %dma_start3A_145 = arith.constant 0 : i32
      %dma_start3A_146 = tpu.memref_slice %arg10[%dma_start3A_144, %dma_start3A_145] : memref<10240x32xf32, #tpu.memory_space<vmem_shared>> -> memref<10240x32xf32, #tpu.memory_space<vmem_shared>>
      tpu.enqueue_indirect_dma source(%dma_start3A_146 : memref<10240x32xf32, #tpu.memory_space<vmem_shared>>) target(%arg9 : memref<128x32xf32, #tpu.memory_space<vmem>>) offsets(%dma_start3A_143 : memref<128xi32, #tpu.memory_space<vmem>>) semaphore(%arg13 : memref<!tpu.dma_semaphore, #tpu.memory_space<semaphore_mem>>)
      %dma_wait3A_147 = arith.constant 0 : i32
      %dma_wait3A_148 = arith.constant 0 : i32
      %dma_wait3A_149 = tpu.memref_slice %arg6[%dma_wait3A_147, %dma_wait3A_148] : memref<157x128xi32, #tpu.memory_space<vmem>> -> memref<1x128xi32, #tpu.memory_space<vmem>>
      %dma_wait3A_150 = tpu.memref_squeeze %dma_wait3A_149 : memref<1x128xi32, #tpu.memory_space<vmem>> -> memref<128xi32, #tpu.memory_space<vmem>>
      %dma_wait3A_151 = arith.constant 0 : i32
      %dma_wait3A_152 = arith.constant 0 : i32
      %dma_wait3A_153 = tpu.memref_slice %arg10[%dma_wait3A_151, %dma_wait3A_152] : memref<10240x32xf32, #tpu.memory_space<vmem_shared>> -> memref<10240x32xf32, #tpu.memory_space<vmem_shared>>
      tpu.wait_indirect_dma semaphore(%arg12 : memref<!tpu.dma_semaphore, #tpu.memory_space<semaphore_mem>>) src(%dma_wait3A_153 : memref<10240x32xf32, #tpu.memory_space<vmem_shared>>) dst(%arg8 : memref<128x32xf32, #tpu.memory_space<vmem>>)
      %dma_start3A_154 = arith.constant 0 : i32
      %dma_start3A_155 = tpu.memref_slice %arg7[%mul3A_124, %dma_start3A_154] : memref<157x128xi32, #tpu.memory_space<vmem>> -> memref<1x128xi32, #tpu.memory_space<vmem>>
      %dma_start3A_156 = tpu.memref_squeeze %dma_start3A_155 : memref<1x128xi32, #tpu.memory_space<vmem>> -> memref<128xi32, #tpu.memory_space<vmem>>
      %dma_start3A_157 = arith.constant 0 : i32
      %dma_start3A_158 = arith.constant 0 : i32
      %dma_start3A_159 = tpu.memref_slice %arg11[%dma_start3A_157, %dma_start3A_158] : memref<10240x32xf32, #tpu.memory_space<vmem_shared>> -> memref<10240x32xf32, #tpu.memory_space<vmem_shared>>
      tpu.enqueue_indirect_dma source(%arg8 : memref<128x32xf32, #tpu.memory_space<vmem>>) target(%dma_start3A_159 : memref<10240x32xf32, #tpu.memory_space<vmem_shared>>) offsets(%dma_start3A_156 : memref<128xi32, #tpu.memory_space<vmem>>) semaphore(%arg14 : memref<!tpu.dma_semaphore, #tpu.memory_space<semaphore_mem>>) {add = true}
      %dma_wait3A_160 = arith.constant 0 : i32
      %dma_wait3A_161 = arith.constant 0 : i32
      %dma_wait3A_162 = tpu.memref_slice %arg6[%dma_wait3A_160, %dma_wait3A_161] : memref<157x128xi32, #tpu.memory_space<vmem>> -> memref<1x128xi32, #tpu.memory_space<vmem>>
      %dma_wait3A_163 = tpu.memref_squeeze %dma_wait3A_162 : memref<1x128xi32, #tpu.memory_space<vmem>> -> memref<128xi32, #tpu.memory_space<vmem>>
      %dma_wait3A_164 = arith.constant 0 : i32
      %dma_wait3A_165 = arith.constant 0 : i32
      %dma_wait3A_166 = tpu.memref_slice %arg10[%dma_wait3A_164, %dma_wait3A_165] : memref<10240x32xf32, #tpu.memory_space<vmem_shared>> -> memref<10240x32xf32, #tpu.memory_space<vmem_shared>>
      tpu.wait_indirect_dma semaphore(%arg13 : memref<!tpu.dma_semaphore, #tpu.memory_space<semaphore_mem>>) src(%dma_wait3A_166 : memref<10240x32xf32, #tpu.memory_space<vmem_shared>>) dst(%arg9 : memref<128x32xf32, #tpu.memory_space<vmem>>)
      %dma_start3A_167 = arith.constant 0 : i32
      %dma_start3A_168 = tpu.memref_slice %arg7[%add3A_126, %dma_start3A_167] : memref<157x128xi32, #tpu.memory_space<vmem>> -> memref<1x128xi32, #tpu.memory_space<vmem>>
      %dma_start3A_169 = tpu.memref_squeeze %dma_start3A_168 : memref<1x128xi32, #tpu.memory_space<vmem>> -> memref<128xi32, #tpu.memory_space<vmem>>
      %dma_start3A_170 = arith.constant 0 : i32
      %dma_start3A_171 = arith.constant 0 : i32
      %dma_start3A_172 = tpu.memref_slice %arg11[%dma_start3A_170, %dma_start3A_171] : memref<10240x32xf32, #tpu.memory_space<vmem_shared>> -> memref<10240x32xf32, #tpu.memory_space<vmem_shared>>
      tpu.enqueue_indirect_dma source(%arg9 : memref<128x32xf32, #tpu.memory_space<vmem>>) target(%dma_start3A_172 : memref<10240x32xf32, #tpu.memory_space<vmem_shared>>) offsets(%dma_start3A_169 : memref<128xi32, #tpu.memory_space<vmem>>) semaphore(%arg15 : memref<!tpu.dma_semaphore, #tpu.memory_space<semaphore_mem>>) {add = true}
    }
    %jit3A_83 = arith.constant 2 : i32
    %eq3A_84 = arith.constant 0 : i32
    %eq3A_85 = arith.cmpi eq, %jit3A_83, %eq3A_84 : i32
    %jit3A_86 = arith.constant 1 : i32
    %select_n3A_87 = arith.select %eq3A_85, %jit3A_86, %jit3A_83 : i32
    %rem3A_88 = arith.remsi %sub3A_46, %select_n3A_87 : i32
    %ne3A_89 = arith.constant 0 : i32
    %ne3A_90 = arith.cmpi ne, %rem3A_88, %ne3A_89 : i32
    %lt3A = arith.constant 0 : i32
    %lt3A_91 = arith.cmpi slt, %rem3A_88, %lt3A : i32
    %lt3A_92 = arith.constant 0 : i32
    %lt3A_93 = arith.cmpi slt, %select_n3A_87, %lt3A_92 : i32
    %ne3A_94 = arith.xori %lt3A_91, %lt3A_93 : i1
    %and3A_95 = arith.andi %ne3A_94, %ne3A_90 : i1
    %add3A_96 = arith.addi %rem3A_88, %select_n3A_87 : i32
    %select_n3A_97 = arith.select %and3A_95, %add3A_96, %rem3A_88 : i32
    %eq3A_98 = arith.constant 1 : i32
    %eq3A_99 = arith.cmpi eq, %select_n3A_97, %eq3A_98 : i32
    %convert_element_type3A_100 = arith.extui %eq3A_99 : i1 to i32
    %cond3A_101 = arith.constant 0 : i32
    %cond3A_102 = arith.cmpi ne, %convert_element_type3A_100, %cond3A_101 : i32
    scf.if %cond3A_102 {
      %dma_wait3A_122 = arith.constant 0 : i32
      %dma_wait3A_123 = arith.constant 0 : i32
      %dma_wait3A_124 = tpu.memref_slice %arg7[%dma_wait3A_122, %dma_wait3A_123] : memref<157x128xi32, #tpu.memory_space<vmem>> -> memref<1x128xi32, #tpu.memory_space<vmem>>
      %dma_wait3A_125 = tpu.memref_squeeze %dma_wait3A_124 : memref<1x128xi32, #tpu.memory_space<vmem>> -> memref<128xi32, #tpu.memory_space<vmem>>
      %dma_wait3A_126 = arith.constant 0 : i32
      %dma_wait3A_127 = arith.constant 0 : i32
      %dma_wait3A_128 = tpu.memref_slice %arg11[%dma_wait3A_126, %dma_wait3A_127] : memref<10240x32xf32, #tpu.memory_space<vmem_shared>> -> memref<10240x32xf32, #tpu.memory_space<vmem_shared>>
      tpu.wait_indirect_dma semaphore(%arg14 : memref<!tpu.dma_semaphore, #tpu.memory_space<semaphore_mem>>) src(%arg8 : memref<128x32xf32, #tpu.memory_space<vmem>>) dst(%dma_wait3A_128 : memref<10240x32xf32, #tpu.memory_space<vmem_shared>>)
      %sub3A_129 = arith.constant 1 : i32
      %sub3A_130 = arith.subi %sub3A_46, %sub3A_129 : i32
      %dma_start3A = arith.constant 0 : i32
      %dma_start3A_131 = tpu.memref_slice %arg6[%sub3A_130, %dma_start3A] : memref<157x128xi32, #tpu.memory_space<vmem>> -> memref<1x128xi32, #tpu.memory_space<vmem>>
      %dma_start3A_132 = tpu.memref_squeeze %dma_start3A_131 : memref<1x128xi32, #tpu.memory_space<vmem>> -> memref<128xi32, #tpu.memory_space<vmem>>
      %dma_start3A_133 = arith.constant 0 : i32
      %dma_start3A_134 = arith.constant 0 : i32
      %dma_start3A_135 = tpu.memref_slice %arg10[%dma_start3A_133, %dma_start3A_134] : memref<10240x32xf32, #tpu.memory_space<vmem_shared>> -> memref<10240x32xf32, #tpu.memory_space<vmem_shared>>
      tpu.enqueue_indirect_dma source(%dma_start3A_135 : memref<10240x32xf32, #tpu.memory_space<vmem_shared>>) target(%arg8 : memref<128x32xf32, #tpu.memory_space<vmem>>) offsets(%dma_start3A_132 : memref<128xi32, #tpu.memory_space<vmem>>) semaphore(%arg12 : memref<!tpu.dma_semaphore, #tpu.memory_space<semaphore_mem>>)
      %dma_wait3A_136 = arith.constant 0 : i32
      %dma_wait3A_137 = arith.constant 0 : i32
      %dma_wait3A_138 = tpu.memref_slice %arg6[%dma_wait3A_136, %dma_wait3A_137] : memref<157x128xi32, #tpu.memory_space<vmem>> -> memref<1x128xi32, #tpu.memory_space<vmem>>
      %dma_wait3A_139 = tpu.memref_squeeze %dma_wait3A_138 : memref<1x128xi32, #tpu.memory_space<vmem>> -> memref<128xi32, #tpu.memory_space<vmem>>
      %dma_wait3A_140 = arith.constant 0 : i32
      %dma_wait3A_141 = arith.constant 0 : i32
      %dma_wait3A_142 = tpu.memref_slice %arg10[%dma_wait3A_140, %dma_wait3A_141] : memref<10240x32xf32, #tpu.memory_space<vmem_shared>> -> memref<10240x32xf32, #tpu.memory_space<vmem_shared>>
      tpu.wait_indirect_dma semaphore(%arg12 : memref<!tpu.dma_semaphore, #tpu.memory_space<semaphore_mem>>) src(%dma_wait3A_142 : memref<10240x32xf32, #tpu.memory_space<vmem_shared>>) dst(%arg8 : memref<128x32xf32, #tpu.memory_space<vmem>>)
      %sub3A_143 = arith.constant 1 : i32
      %sub3A_144 = arith.subi %sub3A_46, %sub3A_143 : i32
      %dma_start3A_145 = arith.constant 0 : i32
      %dma_start3A_146 = tpu.memref_slice %arg7[%sub3A_144, %dma_start3A_145] : memref<157x128xi32, #tpu.memory_space<vmem>> -> memref<1x128xi32, #tpu.memory_space<vmem>>
      %dma_start3A_147 = tpu.memref_squeeze %dma_start3A_146 : memref<1x128xi32, #tpu.memory_space<vmem>> -> memref<128xi32, #tpu.memory_space<vmem>>
      %dma_start3A_148 = arith.constant 0 : i32
      %dma_start3A_149 = arith.constant 0 : i32
      %dma_start3A_150 = tpu.memref_slice %arg11[%dma_start3A_148, %dma_start3A_149] : memref<10240x32xf32, #tpu.memory_space<vmem_shared>> -> memref<10240x32xf32, #tpu.memory_space<vmem_shared>>
      tpu.enqueue_indirect_dma source(%arg8 : memref<128x32xf32, #tpu.memory_space<vmem>>) target(%dma_start3A_150 : memref<10240x32xf32, #tpu.memory_space<vmem_shared>>) offsets(%dma_start3A_147 : memref<128xi32, #tpu.memory_space<vmem>>) semaphore(%arg14 : memref<!tpu.dma_semaphore, #tpu.memory_space<semaphore_mem>>) {add = true}
    } else {
    }
    %dma_wait3A = arith.constant 0 : i32
    %dma_wait3A_103 = arith.constant 0 : i32
    %dma_wait3A_104 = tpu.memref_slice %arg7[%dma_wait3A, %dma_wait3A_103] : memref<157x128xi32, #tpu.memory_space<vmem>> -> memref<1x128xi32, #tpu.memory_space<vmem>>
    %dma_wait3A_105 = tpu.memref_squeeze %dma_wait3A_104 : memref<1x128xi32, #tpu.memory_space<vmem>> -> memref<128xi32, #tpu.memory_space<vmem>>
    %dma_wait3A_106 = arith.constant 0 : i32
    %dma_wait3A_107 = arith.constant 0 : i32
    %dma_wait3A_108 = tpu.memref_slice %arg11[%dma_wait3A_106, %dma_wait3A_107] : memref<10240x32xf32, #tpu.memory_space<vmem_shared>> -> memref<10240x32xf32, #tpu.memory_space<vmem_shared>>
    tpu.wait_indirect_dma semaphore(%arg14 : memref<!tpu.dma_semaphore, #tpu.memory_space<semaphore_mem>>) src(%arg8 : memref<128x32xf32, #tpu.memory_space<vmem>>) dst(%dma_wait3A_108 : memref<10240x32xf32, #tpu.memory_space<vmem_shared>>)
    %dma_wait3A_109 = arith.constant 0 : i32
    %dma_wait3A_110 = arith.constant 0 : i32
    %dma_wait3A_111 = tpu.memref_slice %arg7[%dma_wait3A_109, %dma_wait3A_110] : memref<157x128xi32, #tpu.memory_space<vmem>> -> memref<1x128xi32, #tpu.memory_space<vmem>>
    %dma_wait3A_112 = tpu.memref_squeeze %dma_wait3A_111 : memref<1x128xi32, #tpu.memory_space<vmem>> -> memref<128xi32, #tpu.memory_space<vmem>>
    %dma_wait3A_113 = arith.constant 0 : i32
    %dma_wait3A_114 = arith.constant 0 : i32
    %dma_wait3A_115 = tpu.memref_slice %arg11[%dma_wait3A_113, %dma_wait3A_114] : memref<10240x32xf32, #tpu.memory_space<vmem_shared>> -> memref<10240x32xf32, #tpu.memory_space<vmem_shared>>
    tpu.wait_indirect_dma semaphore(%arg15 : memref<!tpu.dma_semaphore, #tpu.memory_space<semaphore_mem>>) src(%arg9 : memref<128x32xf32, #tpu.memory_space<vmem>>) dst(%dma_wait3A_115 : memref<10240x32xf32, #tpu.memory_space<vmem_shared>>)
    %barrier3A_116 = arith.constant 0 : index
    tpu.barrier barrier_id(%barrier3A_116)
    %eq3A_117 = arith.constant 0 : i32
    %eq3A_118 = arith.cmpi eq, %arg1, %eq3A_117 : i32
    %convert_element_type3A_119 = arith.extui %eq3A_118 : i1 to i32
    %cond3A_120 = arith.constant 0 : i32
    %cond3A_121 = arith.cmpi ne, %convert_element_type3A_119, %cond3A_120 : i32
    scf.if %cond3A_121 {
      "tpu.region"() ({
        %run_scoped3A_122 = tpu.sem_alloc : memref<!tpu.dma_semaphore, #tpu.memory_space<semaphore_mem>>
        %dma_start3A = arith.constant 0 : i32
        %dma_start3A_123 = tpu.memref_slice %arg5[%dma_start3A, %mul3A_0] : memref<10240x64xf32, #tpu.memory_space<hbm>> -> memref<10240x32xf32, #tpu.memory_space<hbm>>
        tpu.enqueue_dma source(%arg11 : memref<10240x32xf32, #tpu.memory_space<vmem_shared>>) target(%dma_start3A_123 : memref<10240x32xf32, #tpu.memory_space<hbm>>) target_semaphore(%run_scoped3A_122 : memref<!tpu.dma_semaphore, #tpu.memory_space<semaphore_mem>>)
        %dma_wait3A_124 = arith.constant 0 : i32
        %dma_wait3A_125 = tpu.memref_slice %arg5[%dma_wait3A_124, %mul3A_0] : memref<10240x64xf32, #tpu.memory_space<hbm>> -> memref<10240x32xf32, #tpu.memory_space<hbm>>
        tpu.wait_dma2 semaphore(%run_scoped3A_122 : memref<!tpu.dma_semaphore, #tpu.memory_space<semaphore_mem>>) src(%arg11 : memref<10240x32xf32, #tpu.memory_space<vmem_shared>>) dst(%dma_wait3A_125 : memref<10240x32xf32, #tpu.memory_space<hbm>>)
        tpu.yield
      }) : () -> ()
    } else {
    }
    return
  }
}

module attributes {stable_mosaic.version = 14 : i64} {
  func.func @_tc1_body(%arg0: i32, %arg1: memref<2x5120x16xf32, #tpu.memory_space<vmem>>, %arg2: memref<5120x128xf32, #tpu.memory_space<vmem>>, %arg3: memref<128x64xf32, #tpu.memory_space<vmem>>, %arg4: memref<5120x64xf32, #tpu.memory_space<vmem>>, %arg5: memref<5120x64xf32, #tpu.memory_space<vmem>>) attributes {dimension_semantics = [#tpu.dimension_semantics<arbitrary>], iteration_bounds = array<i64: 2>, scalar_prefetch = 0 : i64, scratch_operands = 0 : i64, tpu.core_type = #tpu.core_type<tc>, window_params = [{transform_indices = @transform_0, window_bounds = array<i64: 2, 5120, 16>}, {transform_indices = @transform_1, window_bounds = array<i64: 5120, 128>}, {pipeline_mode = #tpu.pipeline_mode<synchronous>, transform_indices = @transform_2, window_bounds = array<i64: 128, 64>}, {transform_indices = @transform_3, window_bounds = array<i64: 5120, 64>}, {transform_indices = @transform_4, window_bounds = array<i64: 5120, 64>}]} {
    %get3A = arith.constant 0 : index
    %get3A_0 = arith.constant 0 : index
    %get3A_1 = arith.constant 0 : index
    %get3A_2 = vector.load %arg1[%get3A, %get3A_0, %get3A_1] : memref<2x5120x16xf32, #tpu.memory_space<vmem>>, vector<1x5120x1xf32>
    %get3A_3 = vector.shape_cast %get3A_2 : vector<1x5120x1xf32> to vector<5120x1xf32>
    %get3A_4 = arith.constant 1 : index
    %get3A_5 = arith.constant 0 : index
    %get3A_6 = arith.constant 0 : index
    %get3A_7 = vector.load %arg1[%get3A_4, %get3A_5, %get3A_6] : memref<2x5120x16xf32, #tpu.memory_space<vmem>>, vector<1x5120x1xf32>
    %get3A_8 = vector.shape_cast %get3A_7 : vector<1x5120x1xf32> to vector<5120x1xf32>
    %add3A = arith.addf %get3A_3, %get3A_8 : vector<5120x1xf32>
    %add3A_9 = arith.constant 1.000000e+00 : f32
    %add3A_10 = vector.broadcast %add3A_9 : f32 to vector<5120x1xf32>
    %add3A_11 = arith.addf %add3A, %add3A_10 : vector<5120x1xf32>
    %rsqrt3A = math.rsqrt %add3A_11 : vector<5120x1xf32>
    %get3A_12 = arith.constant 0 : index
    %get3A_13 = arith.constant 0 : index
    %get3A_14 = vector.load %arg2[%get3A_12, %get3A_13] : memref<5120x128xf32, #tpu.memory_space<vmem>>, vector<5120x128xf32>
    %get3A_15 = arith.constant 0 : index
    %get3A_16 = arith.constant 0 : index
    %get3A_17 = vector.load %arg3[%get3A_15, %get3A_16] : memref<128x64xf32, #tpu.memory_space<vmem>>, vector<128x64xf32>
    %dot_general3A = arith.constant dense<0.000000e+00> : vector<5120x64xf32>
    %dot_general3A_18 = tpu.matmul %get3A_14, %get3A_17, %dot_general3A {dimension_numbers = #tpu.dot_dimension_numbers<[1], [0], [0], [1], [0, 0, 1, 1], [], []>, transpose_lhs_hint = false} : vector<5120x128xf32>, vector<128x64xf32>, vector<5120x64xf32> -> vector<5120x64xf32>
    %mul3A = arith.constant 5120 : i32
    %mul3A_19 = arith.muli %arg0, %mul3A : i32
    %iota3A = tpu.iota {dimensions = array<i32: 0>} : vector<5120x1xi32>
    %add3A_20 = vector.broadcast %mul3A_19 : i32 to vector<5120x1xi32>
    %add3A_21 = arith.addi %add3A_20, %iota3A : vector<5120x1xi32>
    %lt3A = arith.constant 10000 : i32
    %lt3A_22 = vector.broadcast %lt3A : i32 to vector<5120x1xi32>
    %lt3A_23 = arith.cmpi slt, %add3A_21, %lt3A_22 : vector<5120x1xi32>
    %mul3A_24 = vector.broadcast %rsqrt3A : vector<5120x1xf32> to vector<5120x64xf32>
    %mul3A_25 = arith.mulf %dot_general3A_18, %mul3A_24 : vector<5120x64xf32>
    %jit3A = arith.constant 0.000000e+00 : f32
    %broadcast_in_dim3A = vector.shape_cast %lt3A_23 : vector<5120x1xi1> to vector<5120x1xi1>
    %broadcast_in_dim3A_26 = vector.broadcast %broadcast_in_dim3A : vector<5120x1xi1> to vector<5120x64xi1>
    %broadcast_in_dim3A_27 = vector.broadcast %jit3A : f32 to vector<5120x64xf32>
    %select_n3A = arith.select %broadcast_in_dim3A_26, %mul3A_25, %broadcast_in_dim3A_27 : vector<5120x64xi1>, vector<5120x64xf32>
    %swap3A = arith.constant 0 : index
    %swap3A_28 = arith.constant 0 : index
    %swap3A_29 = vector.load %arg4[%swap3A, %swap3A_28] : memref<5120x64xf32, #tpu.memory_space<vmem>>, vector<5120x64xf32>
    tpu.vector_store %arg4[%swap3A, %swap3A_28], %select_n3A {strides = array<i32>} : memref<5120x64xf32, #tpu.memory_space<vmem>>, vector<5120x64xf32>,
    %broadcast_in_dim3A_30 = vector.shape_cast %rsqrt3A : vector<5120x1xf32> to vector<5120x1xf32>
    %broadcast_in_dim3A_31 = vector.broadcast %broadcast_in_dim3A_30 : vector<5120x1xf32> to vector<5120x64xf32>
    %swap3A_32 = arith.constant 0 : index
    %swap3A_33 = arith.constant 0 : index
    %swap3A_34 = vector.load %arg5[%swap3A_32, %swap3A_33] : memref<5120x64xf32, #tpu.memory_space<vmem>>, vector<5120x64xf32>
    tpu.vector_store %arg5[%swap3A_32, %swap3A_33], %broadcast_in_dim3A_31 {strides = array<i32>} : memref<5120x64xf32, #tpu.memory_space<vmem>>, vector<5120x64xf32>,
    return
  }
  func.func @transform_0(%arg0: i32) -> (i32, i32, i32) {
    %c0_i32 = arith.constant 0 : i32
    %c0_i32_0 = arith.constant 0 : i32
    %c0_i32_1 = arith.constant 0 : i32
    return %c0_i32, %arg0, %c0_i32_0 : i32, i32, i32
  }
  func.func @transform_1(%arg0: i32) -> (i32, i32) {
    %c0_i32 = arith.constant 0 : i32
    %c0_i32_0 = arith.constant 0 : i32
    return %arg0, %c0_i32 : i32, i32
  }
  func.func @transform_2(%arg0: i32) -> (i32, i32) {
    %c0_i32 = arith.constant 0 : i32
    %c0_i32_0 = arith.constant 0 : i32
    %c0_i32_1 = arith.constant 0 : i32
    return %c0_i32, %c0_i32_0 : i32, i32
  }
  func.func @transform_3(%arg0: i32) -> (i32, i32) {
    %c0_i32 = arith.constant 0 : i32
    %c0_i32_0 = arith.constant 0 : i32
    return %arg0, %c0_i32 : i32, i32
  }
  func.func @transform_4(%arg0: i32) -> (i32, i32) {
    %c0_i32 = arith.constant 0 : i32
    %c0_i32_0 = arith.constant 0 : i32
    return %arg0, %c0_i32 : i32, i32
  }
}

module attributes {stable_mosaic.version = 14 : i64} {
  func.func @_tc2_body(%arg0: i32, %arg1: memref<5120x64xf32, #tpu.memory_space<vmem>>, %arg2: memref<5120x64xf32, #tpu.memory_space<vmem>>, %arg3: memref<5120x64xf32, #tpu.memory_space<vmem>>, %arg4: memref<64x64xf32, #tpu.memory_space<vmem>>, %arg5: memref<1x64xf32, #tpu.memory_space<vmem>>, %arg6: memref<5120x64xf32, #tpu.memory_space<vmem>>) attributes {dimension_semantics = [#tpu.dimension_semantics<arbitrary>], iteration_bounds = array<i64: 2>, scalar_prefetch = 0 : i64, scratch_operands = 0 : i64, tpu.core_type = #tpu.core_type<tc>, window_params = [{transform_indices = @transform_0, window_bounds = array<i64: 5120, 64>}, {transform_indices = @transform_1, window_bounds = array<i64: 5120, 64>}, {transform_indices = @transform_2, window_bounds = array<i64: 5120, 64>}, {pipeline_mode = #tpu.pipeline_mode<synchronous>, transform_indices = @transform_3, window_bounds = array<i64: 64, 64>}, {pipeline_mode = #tpu.pipeline_mode<synchronous>, transform_indices = @transform_4, window_bounds = array<i64: 1, 64>}, {transform_indices = @transform_5, window_bounds = array<i64: 5120, 64>}]} {
    %get3A = arith.constant 0 : index
    %get3A_0 = arith.constant 0 : index
    %get3A_1 = vector.load %arg1[%get3A, %get3A_0] : memref<5120x64xf32, #tpu.memory_space<vmem>>, vector<5120x64xf32>
    %get3A_2 = arith.constant 0 : index
    %get3A_3 = arith.constant 0 : index
    %get3A_4 = vector.load %arg2[%get3A_2, %get3A_3] : memref<5120x64xf32, #tpu.memory_space<vmem>>, vector<5120x64xf32>
    %get3A_5 = arith.constant 0 : index
    %get3A_6 = arith.constant 0 : index
    %get3A_7 = vector.load %arg3[%get3A_5, %get3A_6] : memref<5120x64xf32, #tpu.memory_space<vmem>>, vector<5120x64xf32>
    %add3A = arith.addf %get3A_4, %get3A_7 : vector<5120x64xf32>
    %mul3A = arith.mulf %add3A, %get3A_1 : vector<5120x64xf32>
    %get3A_8 = arith.constant 0 : index
    %get3A_9 = arith.constant 0 : index
    %get3A_10 = vector.load %arg5[%get3A_8, %get3A_9] : memref<1x64xf32, #tpu.memory_space<vmem>>, vector<1x64xf32>
    %add3A_11 = vector.broadcast %get3A_10 : vector<1x64xf32> to vector<5120x64xf32>
    %add3A_12 = arith.addf %mul3A, %add3A_11 : vector<5120x64xf32>
    %max3A = arith.constant 0.000000e+00 : f32
    %max3A_13 = vector.broadcast %max3A : f32 to vector<5120x64xf32>
    %max3A_14 = arith.maximumf %add3A_12, %max3A_13 : vector<5120x64xf32>
    %mul3A_15 = arith.constant 5120 : i32
    %mul3A_16 = arith.muli %arg0, %mul3A_15 : i32
    %iota3A = tpu.iota {dimensions = array<i32: 0>} : vector<5120x1xi32>
    %add3A_17 = vector.broadcast %mul3A_16 : i32 to vector<5120x1xi32>
    %add3A_18 = arith.addi %add3A_17, %iota3A : vector<5120x1xi32>
    %lt3A = arith.constant 10000 : i32
    %lt3A_19 = vector.broadcast %lt3A : i32 to vector<5120x1xi32>
    %lt3A_20 = arith.cmpi slt, %add3A_18, %lt3A_19 : vector<5120x1xi32>
    %jit3A = arith.constant 0.000000e+00 : f32
    %broadcast_in_dim3A = vector.shape_cast %lt3A_20 : vector<5120x1xi1> to vector<5120x1xi1>
    %broadcast_in_dim3A_21 = vector.broadcast %broadcast_in_dim3A : vector<5120x1xi1> to vector<5120x64xi1>
    %broadcast_in_dim3A_22 = vector.broadcast %jit3A : f32 to vector<5120x64xf32>
    %select_n3A = arith.select %broadcast_in_dim3A_21, %max3A_14, %broadcast_in_dim3A_22 : vector<5120x64xi1>, vector<5120x64xf32>
    %get3A_23 = arith.constant 0 : index
    %get3A_24 = arith.constant 0 : index
    %get3A_25 = vector.load %arg4[%get3A_23, %get3A_24] : memref<64x64xf32, #tpu.memory_space<vmem>>, vector<64x64xf32>
    %dot_general3A = arith.constant dense<0.000000e+00> : vector<5120x64xf32>
    %dot_general3A_26 = tpu.matmul %select_n3A, %get3A_25, %dot_general3A {dimension_numbers = #tpu.dot_dimension_numbers<[1], [0], [0], [1], [0, 0, 1, 1], [], []>, transpose_lhs_hint = false} : vector<5120x64xf32>, vector<64x64xf32>, vector<5120x64xf32> -> vector<5120x64xf32>
    %mul3A_27 = arith.mulf %dot_general3A_26, %get3A_1 : vector<5120x64xf32>
    %swap3A = arith.constant 0 : index
    %swap3A_28 = arith.constant 0 : index
    %swap3A_29 = vector.load %arg6[%swap3A, %swap3A_28] : memref<5120x64xf32, #tpu.memory_space<vmem>>, vector<5120x64xf32>
    tpu.vector_store %arg6[%swap3A, %swap3A_28], %mul3A_27 {strides = array<i32>} : memref<5120x64xf32, #tpu.memory_space<vmem>>, vector<5120x64xf32>,
    return
  }
  func.func @transform_0(%arg0: i32) -> (i32, i32) {
    %c0_i32 = arith.constant 0 : i32
    %c0_i32_0 = arith.constant 0 : i32
    return %arg0, %c0_i32 : i32, i32
  }
  func.func @transform_1(%arg0: i32) -> (i32, i32) {
    %c0_i32 = arith.constant 0 : i32
    %c0_i32_0 = arith.constant 0 : i32
    return %arg0, %c0_i32 : i32, i32
  }
  func.func @transform_2(%arg0: i32) -> (i32, i32) {
    %c0_i32 = arith.constant 0 : i32
    %c0_i32_0 = arith.constant 0 : i32
    return %arg0, %c0_i32 : i32, i32
  }
  func.func @transform_3(%arg0: i32) -> (i32, i32) {
    %c0_i32 = arith.constant 0 : i32
    %c0_i32_0 = arith.constant 0 : i32
    %c0_i32_1 = arith.constant 0 : i32
    return %c0_i32, %c0_i32_0 : i32, i32
  }
  func.func @transform_4(%arg0: i32) -> (i32, i32) {
    %c0_i32 = arith.constant 0 : i32
    %c0_i32_0 = arith.constant 0 : i32
    %c0_i32_1 = arith.constant 0 : i32
    return %c0_i32, %c0_i32_0 : i32, i32
  }
  func.func @transform_5(%arg0: i32) -> (i32, i32) {
    %c0_i32 = arith.constant 0 : i32
    %c0_i32_0 = arith.constant 0 : i32
    return %arg0, %c0_i32 : i32, i32
  }
}

module attributes {stable_mosaic.version = 14 : i64} {
  func.func @_tc3_body(%arg0: i32, %arg1: memref<5120x64xf32, #tpu.memory_space<vmem>>, %arg2: memref<5120x64xf32, #tpu.memory_space<vmem>>, %arg3: memref<5120x64xf32, #tpu.memory_space<vmem>>, %arg4: memref<1x64xf32, #tpu.memory_space<vmem>>, %arg5: memref<64x64xf32, #tpu.memory_space<vmem>>, %arg6: memref<1x64xf32, #tpu.memory_space<vmem>>, %arg7: memref<64x128xf32, #tpu.memory_space<vmem>>, %arg8: memref<1x128xf32, #tpu.memory_space<vmem>>, %arg9: memref<1x128xf32, #tpu.memory_space<vmem>>, %arg10: memref<1x64xf32, #tpu.memory_space<vmem>>) attributes {dimension_semantics = [#tpu.dimension_semantics<arbitrary>], iteration_bounds = array<i64: 2>, scalar_prefetch = 0 : i64, scratch_operands = 1 : i64, tpu.core_type = #tpu.core_type<tc>, window_params = [{transform_indices = @transform_0, window_bounds = array<i64: 5120, 64>}, {transform_indices = @transform_1, window_bounds = array<i64: 5120, 64>}, {transform_indices = @transform_2, window_bounds = array<i64: 5120, 64>}, {pipeline_mode = #tpu.pipeline_mode<synchronous>, transform_indices = @transform_3, window_bounds = array<i64: 1, 64>}, {pipeline_mode = #tpu.pipeline_mode<synchronous>, transform_indices = @transform_4, window_bounds = array<i64: 64, 64>}, {pipeline_mode = #tpu.pipeline_mode<synchronous>, transform_indices = @transform_5, window_bounds = array<i64: 1, 64>}, {pipeline_mode = #tpu.pipeline_mode<synchronous>, transform_indices = @transform_6, window_bounds = array<i64: 64, 128>}, {pipeline_mode = #tpu.pipeline_mode<synchronous>, transform_indices = @transform_7, window_bounds = array<i64: 1, 128>}, {pipeline_mode = #tpu.pipeline_mode<synchronous>, transform_indices = @transform_8, window_bounds = array<i64: 1, 128>}]} {
    %get3A = arith.constant 0 : index
    %get3A_0 = arith.constant 0 : index
    %get3A_1 = vector.load %arg1[%get3A, %get3A_0] : memref<5120x64xf32, #tpu.memory_space<vmem>>, vector<5120x64xf32>
    %get3A_2 = arith.constant 0 : index
    %get3A_3 = arith.constant 0 : index
    %get3A_4 = vector.load %arg2[%get3A_2, %get3A_3] : memref<5120x64xf32, #tpu.memory_space<vmem>>, vector<5120x64xf32>
    %get3A_5 = arith.constant 0 : index
    %get3A_6 = arith.constant 0 : index
    %get3A_7 = vector.load %arg3[%get3A_5, %get3A_6] : memref<5120x64xf32, #tpu.memory_space<vmem>>, vector<5120x64xf32>
    %add3A = arith.addf %get3A_4, %get3A_7 : vector<5120x64xf32>
    %mul3A = arith.mulf %add3A, %get3A_1 : vector<5120x64xf32>
    %get3A_8 = arith.constant 0 : index
    %get3A_9 = arith.constant 0 : index
    %get3A_10 = vector.load %arg4[%get3A_8, %get3A_9] : memref<1x64xf32, #tpu.memory_space<vmem>>, vector<1x64xf32>
    %add3A_11 = vector.broadcast %get3A_10 : vector<1x64xf32> to vector<5120x64xf32>
    %add3A_12 = arith.addf %mul3A, %add3A_11 : vector<5120x64xf32>
    %max3A = arith.constant 0.000000e+00 : f32
    %max3A_13 = vector.broadcast %max3A : f32 to vector<5120x64xf32>
    %max3A_14 = arith.maximumf %add3A_12, %max3A_13 : vector<5120x64xf32>
    %mul3A_15 = arith.constant 5120 : i32
    %mul3A_16 = arith.muli %arg0, %mul3A_15 : i32
    %iota3A = tpu.iota {dimensions = array<i32: 0>} : vector<5120x1xi32>
    %add3A_17 = vector.broadcast %mul3A_16 : i32 to vector<5120x1xi32>
    %add3A_18 = arith.addi %add3A_17, %iota3A : vector<5120x1xi32>
    %lt3A = arith.constant 10000 : i32
    %lt3A_19 = vector.broadcast %lt3A : i32 to vector<5120x1xi32>
    %lt3A_20 = arith.cmpi slt, %add3A_18, %lt3A_19 : vector<5120x1xi32>
    %jit3A = arith.constant 0.000000e+00 : f32
    %broadcast_in_dim3A = vector.shape_cast %lt3A_20 : vector<5120x1xi1> to vector<5120x1xi1>
    %broadcast_in_dim3A_21 = vector.broadcast %broadcast_in_dim3A : vector<5120x1xi1> to vector<5120x64xi1>
    %broadcast_in_dim3A_22 = vector.broadcast %jit3A : f32 to vector<5120x64xf32>
    %select_n3A = arith.select %broadcast_in_dim3A_21, %max3A_14, %broadcast_in_dim3A_22 : vector<5120x64xi1>, vector<5120x64xf32>
    %reduce_sum3A = arith.constant dense<0.000000e+00> : vector<64xf32>
    %reduce_sum3A_23 = vector.multi_reduction <add>, %select_n3A, %reduce_sum3A [0] : vector<5120x64xf32> to vector<64xf32>
    %broadcast_in_dim3A_24 = vector.shape_cast %reduce_sum3A_23 : vector<64xf32> to vector<1x64xf32>
    %eq3A = arith.constant 0 : i32
    %eq3A_25 = arith.cmpi eq, %arg0, %eq3A : i32
    %convert_element_type3A = arith.extui %eq3A_25 : i1 to i32
    %cond3A = arith.constant 0 : i32
    %cond3A_26 = arith.cmpi ne, %convert_element_type3A, %cond3A : i32
    scf.if %cond3A_26 {
      %swap3A = arith.constant 0 : index
      %swap3A_36 = arith.constant 0 : index
      %swap3A_37 = vector.load %arg10[%swap3A, %swap3A_36] : memref<1x64xf32, #tpu.memory_space<vmem>>, vector<1x64xf32>
      tpu.vector_store %arg10[%swap3A, %swap3A_36], %broadcast_in_dim3A_24 {strides = array<i32>} : memref<1x64xf32, #tpu.memory_space<vmem>>, vector<1x64xf32>,
    } else {
    }
    %gt3A = arith.constant 0 : i32
    %gt3A_27 = arith.cmpi sgt, %arg0, %gt3A : i32
    %convert_element_type3A_28 = arith.extui %gt3A_27 : i1 to i32
    %cond3A_29 = arith.constant 0 : i32
    %cond3A_30 = arith.cmpi ne, %convert_element_type3A_28, %cond3A_29 : i32
    scf.if %cond3A_30 {
      %get3A_36 = arith.constant 0 : index
      %get3A_37 = arith.constant 0 : index
      %get3A_38 = vector.load %arg10[%get3A_36, %get3A_37] : memref<1x64xf32, #tpu.memory_space<vmem>>, vector<1x64xf32>
      %add3A_39 = arith.addf %get3A_38, %broadcast_in_dim3A_24 : vector<1x64xf32>
      %swap3A = arith.constant 0 : index
      %swap3A_40 = arith.constant 0 : index
      %swap3A_41 = vector.load %arg10[%swap3A, %swap3A_40] : memref<1x64xf32, #tpu.memory_space<vmem>>, vector<1x64xf32>
      tpu.vector_store %arg10[%swap3A, %swap3A_40], %add3A_39 {strides = array<i32>} : memref<1x64xf32, #tpu.memory_space<vmem>>, vector<1x64xf32>,
    } else {
    }
    %eq3A_31 = arith.constant 1 : i32
    %eq3A_32 = arith.cmpi eq, %arg0, %eq3A_31 : i32
    %convert_element_type3A_33 = arith.extui %eq3A_32 : i1 to i32
    %cond3A_34 = arith.constant 0 : i32
    %cond3A_35 = arith.cmpi ne, %convert_element_type3A_33, %cond3A_34 : i32
    scf.if %cond3A_35 {
      %get3A_36 = arith.constant 0 : index
      %get3A_37 = arith.constant 0 : index
      %get3A_38 = vector.load %arg10[%get3A_36, %get3A_37] : memref<1x64xf32, #tpu.memory_space<vmem>>, vector<1x64xf32>
      %mul3A_39 = arith.constant 9.99999974E-5 : f32
      %mul3A_40 = vector.broadcast %mul3A_39 : f32 to vector<1x64xf32>
      %mul3A_41 = arith.mulf %get3A_38, %mul3A_40 : vector<1x64xf32>
      %get3A_42 = arith.constant 0 : index
      %get3A_43 = arith.constant 0 : index
      %get3A_44 = vector.load %arg5[%get3A_42, %get3A_43] : memref<64x64xf32, #tpu.memory_space<vmem>>, vector<64x64xf32>
      %dot_general3A = arith.constant dense<0.000000e+00> : vector<1x64xf32>
      %dot_general3A_45 = tpu.matmul %mul3A_41, %get3A_44, %dot_general3A {dimension_numbers = #tpu.dot_dimension_numbers<[1], [0], [0], [1], [0, 0, 1, 1], [], []>, transpose_lhs_hint = false} : vector<1x64xf32>, vector<64x64xf32>, vector<1x64xf32> -> vector<1x64xf32>
      %get3A_46 = arith.constant 0 : index
      %get3A_47 = arith.constant 0 : index
      %get3A_48 = vector.load %arg6[%get3A_46, %get3A_47] : memref<1x64xf32, #tpu.memory_space<vmem>>, vector<1x64xf32>
      %add3A_49 = arith.addf %dot_general3A_45, %get3A_48 : vector<1x64xf32>
      %max3A_50 = arith.constant 0.000000e+00 : f32
      %max3A_51 = vector.broadcast %max3A_50 : f32 to vector<1x64xf32>
      %max3A_52 = arith.maximumf %add3A_49, %max3A_51 : vector<1x64xf32>
      %get3A_53 = arith.constant 0 : index
      %get3A_54 = arith.constant 0 : index
      %get3A_55 = vector.load %arg7[%get3A_53, %get3A_54] : memref<64x128xf32, #tpu.memory_space<vmem>>, vector<64x128xf32>
      %dot_general3A_56 = arith.constant dense<0.000000e+00> : vector<1x128xf32>
      %dot_general3A_57 = tpu.matmul %max3A_52, %get3A_55, %dot_general3A_56 {dimension_numbers = #tpu.dot_dimension_numbers<[1], [0], [0], [1], [0, 0, 1, 1], [], []>, transpose_lhs_hint = false} : vector<1x64xf32>, vector<64x128xf32>, vector<1x128xf32> -> vector<1x128xf32>
      %get3A_58 = arith.constant 0 : index
      %get3A_59 = arith.constant 0 : index
      %get3A_60 = vector.load %arg8[%get3A_58, %get3A_59] : memref<1x128xf32, #tpu.memory_space<vmem>>, vector<1x128xf32>
      %add3A_61 = arith.addf %dot_general3A_57, %get3A_60 : vector<1x128xf32>
      %neg3A = arith.constant 0.000000e+00 : f32
      %neg3A_62 = vector.broadcast %neg3A : f32 to vector<1x128xf32>
      %neg3A_63 = arith.subf %neg3A_62, %add3A_61 : vector<1x128xf32>
      %exp3A = math.exp %neg3A_63 : vector<1x128xf32>
      %add3A_64 = arith.constant 1.000000e+00 : f32
      %add3A_65 = vector.broadcast %add3A_64 : f32 to vector<1x128xf32>
      %add3A_66 = arith.addf %add3A_65, %exp3A : vector<1x128xf32>
      %div3A = arith.constant 1.000000e+00 : f32
      %div3A_67 = vector.broadcast %div3A : f32 to vector<1x128xf32>
      %div3A_68 = arith.divf %div3A_67, %add3A_66 : vector<1x128xf32>
      %swap3A = arith.constant 0 : index
      %swap3A_69 = arith.constant 0 : index
      %swap3A_70 = vector.load %arg9[%swap3A, %swap3A_69] : memref<1x128xf32, #tpu.memory_space<vmem>>, vector<1x128xf32>
      tpu.vector_store %arg9[%swap3A, %swap3A_69], %div3A_68 {strides = array<i32>} : memref<1x128xf32, #tpu.memory_space<vmem>>, vector<1x128xf32>,
    } else {
    }
    return
  }
  func.func @transform_0(%arg0: i32) -> (i32, i32) {
    %c0_i32 = arith.constant 0 : i32
    %c0_i32_0 = arith.constant 0 : i32
    return %arg0, %c0_i32 : i32, i32
  }
  func.func @transform_1(%arg0: i32) -> (i32, i32) {
    %c0_i32 = arith.constant 0 : i32
    %c0_i32_0 = arith.constant 0 : i32
    return %arg0, %c0_i32 : i32, i32
  }
  func.func @transform_2(%arg0: i32) -> (i32, i32) {
    %c0_i32 = arith.constant 0 : i32
    %c0_i32_0 = arith.constant 0 : i32
    return %arg0, %c0_i32 : i32, i32
  }
  func.func @transform_3(%arg0: i32) -> (i32, i32) {
    %c0_i32 = arith.constant 0 : i32
    %c0_i32_0 = arith.constant 0 : i32
    %c0_i32_1 = arith.constant 0 : i32
    return %c0_i32, %c0_i32_0 : i32, i32
  }
  func.func @transform_4(%arg0: i32) -> (i32, i32) {
    %c0_i32 = arith.constant 0 : i32
    %c0_i32_0 = arith.constant 0 : i32
    %c0_i32_1 = arith.constant 0 : i32
    return %c0_i32, %c0_i32_0 : i32, i32
  }
  func.func @transform_5(%arg0: i32) -> (i32, i32) {
    %c0_i32 = arith.constant 0 : i32
    %c0_i32_0 = arith.constant 0 : i32
    %c0_i32_1 = arith.constant 0 : i32
    return %c0_i32, %c0_i32_0 : i32, i32
  }
  func.func @transform_6(%arg0: i32) -> (i32, i32) {
    %c0_i32 = arith.constant 0 : i32
    %c0_i32_0 = arith.constant 0 : i32
    %c0_i32_1 = arith.constant 0 : i32
    return %c0_i32, %c0_i32_0 : i32, i32
  }
  func.func @transform_7(%arg0: i32) -> (i32, i32) {
    %c0_i32 = arith.constant 0 : i32
    %c0_i32_0 = arith.constant 0 : i32
    %c0_i32_1 = arith.constant 0 : i32
    return %c0_i32, %c0_i32_0 : i32, i32
  }
  func.func @transform_8(%arg0: i32) -> (i32, i32) {
    %c0_i32 = arith.constant 0 : i32
    %c0_i32_0 = arith.constant 0 : i32
    %c0_i32_1 = arith.constant 0 : i32
    return %c0_i32, %c0_i32_0 : i32, i32
  }
}

</mosaic_0001>

<sc_bundles>
// kernel: kernel.11.cloned.1.call-start
scs
__scs_entry_jumppad:
0x0: {  	(pc) =	sbr.rel $0x88, $3  }
0x1: {  	(tag) =	ssettag $0x0;
	lr =	simm.s32 $0x1  }
0x2: {  	[smem:$0x3F97] =	sst lr;
	_ =	strace $0xD0000000  }
0x3: {  	_ = 	snop  }
0x4: {  	_ = 	snop  }
0x5: {  	_ = 	snop  }
0x6: {  	_ = 	snop  }
0x7: {  	_ = 	snop  }
__scs_overlays_trampoline_lowered:
0x8: {  	[smem:$0x3FA6] =	sst s0  }
0x9: {  	[smem:$0x3FA7] =	sst s1  }
0xa: {  	[smem:$0x3FA8] =	sst s2  }
0xb: {  	[smem:$0x3FA9] =	sst s3  }
0xc: {  	[smem:$0x3FAA] =	sst s4  }
0xd: {  	[smem:$0x3FAB] =	sst s5  }
0xe: {  	[smem:$0x3FAC] =	sst s6  }
0xf: {  	[smem:$0x3FAD] =	sst s7  }
0x10: {  	[smem:$0x3FAE] =	sst s8  }
0x11: {  	[smem:$0x3FAF] =	sst s9;
	s0 =	simm.s32 @!p0 $0x0  }
0x12: {  	s1 =	sld [smem:$0x3F95];
	s0 =	simm.s32 @p0 $0x1  }
0x13: {  	[smem:$0x3FB0] =	sst s0;
	s0 =	simm.s32 @!p1 $0x0  }
0x14: {  	s2 =	sld [smem:$0x3F94];
	s0 =	simm.s32 @p1 $0x1  }
0x15: {  	[smem:$0x3FB1] =	sst s0;
	s0 =	simm.s32 @!p2 $0x0  }
0x16: {  	s3 =	sld [smem:$0x3FDB];
	s0 =	simm.s32 @p2 $0x1  }
0x17: {  	s4 =	simm.s32 $0x1BF5;
	[smem:$0x3FB3] =	sst s0  }
0x18: {  	s0 =	sld [smem:$0x3F96];
	_ =	swait.ge [sflag:s4], $0x0  }
0x19: {  	s7 =	sld [smem:$0x3F97]  }
0x1a: {  	s8 =	sadd.s32 $0xFFFFE003, lr  }
0x1b: {  	s9 =	sadd.s32 $0xFFFFFEF7, lr;
	s5 =	simm.s32 $0xFFFFFFFF;
	p2 =	slt.u32 s8, $0xFFFFF086  }
0x1c: {  	p1 =	slt.u32 s9, $0xF7A;
	s5 =	simm.s32 @!p2 $0x0  }
0x1d: {  	s5 =	simm.s32 @p1 $0x1;
	p0 =	seq.s32 s7, s2  }
0x1e: {  	s7 =	smul.u32 @!p0 $0xF7A, s2;
	p2 =	seq.s32 @!p0 s5, $0x0  }
0x1f: {  	s9 =	smul.u32 $0xF7A, s1;
	s8 =	simm.s32 @!p0 $0x1BF5;
	p2 =	por !p2, p0  }
0x20: {  	[sflag:s8] =	ssyncset.s32 @!p0 $0xFFFFF086;
	s6 =	sadd.s32 @!p0 s3, s7;
	s7 =	simm.s32 @!p0 $0x108  }
0x21: {  	s3 =	sadd.s32 s3, s9;
	s6 =	sadd.s32 @!p0 $0x88, s6;
	s7 =	simm.s32 @p2 $0x1082  }
0x22: {  	[simem:s7], [sflag:s8] =	dma.local @!p0 [hbm:s6], $0xF7A  }
0x23: {  	s9 =	sor.u32 $0xD0000000, s2;
	s6 =	simm.s32 $0x108;
	_ =	swait.ge @!p0 [sflag:s8], $0x0  }
0x24: {  	s3 =	sadd.s32 $0x88, s3;
	s6 =	simm.s32 @!p1 $0x1082;
	[sflag:s4] =	ssyncset.s32 $0xFFFFF086  }
0x25: {  	[simem:s6], [sflag:s4] =	dma.local [hbm:s3], $0xF7A  }
0x26: {  	[smem:$0x3F97] =	sst s1;
	(tag) =	ssettag s2;
	_ =	strace s9  }
0x27: {  	s1 =	sld [smem:$0x3FA7]  }
0x28: {  	s2 =	sld [smem:$0x3FA8]  }
0x29: {  	s4 =	sld [smem:$0x3FAA]  }
0x2a: {  	p0 =	seq.s32 s5, $0x0;
	s5 =	sld [smem:$0x3FAB]  }
0x2b: {  	s6 =	sld [smem:$0x3FAC]  }
0x2c: {  	s7 =	sld [smem:$0x3FAD]  }
0x2d: {  	s3 =	simm.s32 $0x108;
	s8 =	sld [smem:$0x3FAE]  }
0x2e: {  	s3 =	simm.s32 @!p0 $0x1082;
	s9 =	sld [smem:$0x3FAF]  }
0x2f: {  	lr =	sadd.s32 s0, s3;
	s0 =	sld [smem:$0x3FA6]  }
0x30: {  	s3 =	sld [smem:$0x3FA9]  }
0x31: {  	[smem:$0x3FB2] =	sst s10  }
0x32: {  	s10 =	sld [smem:$0x3FB0];
	_ =	sdelay $0x3  }
0x33: {  	p0 =	seq.s32 s10, $0x1;
	s10 =	sld [smem:$0x3FB2];
	_ =	sdelay $0x3  }
0x34: {  	[smem:$0x3FB2] =	sst s10  }
0x35: {  	s10 =	sld [smem:$0x3FB1];
	_ =	sdelay $0x3  }
0x36: {  	p1 =	seq.s32 s10, $0x1;
	s10 =	sld [smem:$0x3FB2];
	_ =	sdelay $0x3  }
0x37: {  	[smem:$0x3FB2] =	sst s10  }
0x38: {  	s10 =	sld [smem:$0x3FB3]  }
0x39: {  	_ = 	snop;
	(pc) =	sbr.ind lr, $3  }
0x3a: {  	_ = 	snop  }
0x3b: {  	_ = 	snop  }
0x3c: {  	p2 =	seq.s32 s10, $0x1;
	s10 =	sld [smem:$0x3FB2]  }
0x3d: {  	_ =	shalt  }
0x3e: {  	_ =	shalt  }
0x3f: {  	_ =	shalt  }
0x40: {  	_ =	shalt  }
0x41: {  	_ =	shalt  }
0x42: {  	_ =	shalt  }
0x43: {  	_ =	shalt  }
0x44: {  	_ =	shalt  }
0x45: {  	_ =	shalt  }
0x46: {  	_ =	shalt  }
0x47: {  	_ =	shalt  }
0x48: {  	_ =	shalt  }
0x49: {  	_ =	shalt  }
0x4a: {  	_ =	shalt  }
0x4b: {  	_ =	shalt  }
0x4c: {  	_ =	shalt  }
0x4d: {  	_ =	shalt  }
0x4e: {  	_ =	shalt  }
0x4f: {  	_ =	shalt  }
0x50: {  	_ =	shalt  }
0x51: {  	_ =	shalt  }
0x52: {  	_ =	shalt  }
0x53: {  	_ =	shalt  }
0x54: {  	_ =	shalt  }
0x55: {  	_ =	shalt  }
0x56: {  	_ =	shalt  }
0x57: {  	_ =	shalt  }
0x58: {  	_ =	shalt  }
0x59: {  	_ =	shalt  }
0x5a: {  	_ =	shalt  }
0x5b: {  	_ =	shalt  }
0x5c: {  	_ =	shalt  }
0x5d: {  	_ =	shalt  }
0x5e: {  	_ =	shalt  }
0x5f: {  	_ =	shalt  }
0x60: {  	_ =	shalt  }
0x61: {  	_ =	shalt  }
0x62: {  	_ =	shalt  }
0x63: {  	_ =	shalt  }
0x64: {  	_ =	shalt  }
0x65: {  	_ =	shalt  }
0x66: {  	_ =	shalt  }
0x67: {  	_ =	shalt  }
0x68: {  	_ =	shalt  }
0x69: {  	_ =	shalt  }
0x6a: {  	_ =	shalt  }
0x6b: {  	_ =	shalt  }
0x6c: {  	_ =	shalt  }
0x6d: {  	_ =	shalt  }
0x6e: {  	_ =	shalt  }
0x6f: {  	_ =	shalt  }
0x70: {  	_ =	shalt  }
0x71: {  	_ =	shalt  }
0x72: {  	_ =	shalt  }
0x73: {  	_ =	shalt  }
0x74: {  	_ =	shalt  }
0x75: {  	_ =	shalt  }
0x76: {  	_ =	shalt  }
0x77: {  	_ =	shalt  }
0x78: {  	_ =	shalt  }
0x79: {  	_ =	shalt  }
0x7a: {  	_ =	shalt  }
0x7b: {  	_ =	shalt  }
0x7c: {  	_ =	shalt  }
0x7d: {  	_ =	shalt  }
0x7e: {  	_ =	shalt  }
0x7f: {  	_ =	shalt  }
0x80: {  	_ =	shalt  }
0x81: {  	_ =	shalt  }
0x82: {  	_ =	shalt  }
0x83: {  	_ =	shalt  }
0x84: {  	_ =	shalt  }
0x85: {  	_ =	shalt  }
0x86: {  	_ =	shalt  }
0x87: {  	_ =	shalt  }
.Lfunc_end0:
.L_simem_size_0:
called_computation.1_lowered:
.L_overlay_start_0:
0x88: {  	s2 =	sld [smem:$0x3FD9]  }
0x89: {  	s3 =	sld [smem:$0x3FFE];
	_ =	sdelay $0x1  }
0x8a: {  	s1 =	srdreg.scid  }
0x8b: {  	s0 =	sand.u32 $0x1, s1  }
0x8c: {  	s16 =	sshll.u32 s0, $0xA;
	s2 =	sadd.s32 s3, s2  }
0x8d: {  	s2 =	sadd.s32 s2, s16  }
0x8e: {  	[smem:$0x3FBE] =	sst s2  }
0x8f: {  	_ = 	snop  }
0x90: {  	(tm) =	ssettm $0x1  }
0x91: {  	s17 =	sld [smem:$0x3FFB];
	_ =	sdelay $0x3  }
0x92: {  	_ =	strace s17  }
0x93: {  	s2 =	sld [smem:$0x3FFC];
	_ =	sdelay $0x3  }
0x94: {  	_ =	strace s2  }
0x95: {  	s2 =	sld [smem:$0x3FFD];
	_ =	sdelay $0x3  }
0x96: {  	_ =	strace s2  }
0x97: {  	_ =	strace $0x8FFFFFFF  }
0x98: {  	s18 =	sld [smem:$0x3FDB];
	_ =	sdelay $0x1  }
0x99: {  	s19 =	simm.s32 $_scs_section_size  }
0x9a: {  	s4 =	simm.s32 $_size__tile_overlayer_lowered;
	s5 =	simm.s32 $_tile_overlayer_lowered  }
0x9b: {  	s22 =	simm.s32 $0x1BFF;
	s21 =	sshll.u32 s5, $0x1;
	s2 =	sadd.s32 s19, s18  }
0x9c: {  	s6 =	simm.s32 $0x0;
	s20 =	sshll.u32 s4, $0x1;
	s4 =	sadd.s32 s21, s2  }
0x9d: {  	[timem:s6], [sflag:s22] =	dma.local [hbm:s4], s20  }
0x9e: {  	_ =	swait.ge [sflag:s22], s20  }
0x9f: {  	s3 =	ssub.s32 $0x0, s20;
	[sflag:s22] =	ssyncset.done $0x0  }
0xa0: {  	[sflag:s22] =	ssyncadd.s32 s3;
	_ =	sdelay $0x1  }
0xa1: {  	s23 =	simm.s32 $0x1B8B  }
0xa2: {  	_ =	swait.ge [sflag:s23], $0x1  }
0xa3: {  	[sflag:s23] =	ssyncset.done $0x0  }
0xa4: {  	s25 =	simm.s32 $0x1B8E;
	s24 =	sld [smem:$0x3FFE];
	[sflag:s23] =	ssyncadd.s32 $0xFFFFFFFF  }
0xa5: {  	s26 =	simm.s32 $execute0_lowered;
	[smem:$0x3FD2] =	sst s25  }
0xa6: {  	s4 =	sshll.u32 s26, $0x1;
	_ =	strace $0x80000049;
	[dreg:$0x1] =	wrdreg $0xFFFFFFFF  }
0xa7: {  	s28 =	simm.s32 $_size_execute0_lowered;
	s2 =	sadd.s32 s2, s4;
	[dreg:$0x0] =	wrdreg $0x0  }
0xa8: {  	s4 =	sshll.u32 s28, $0x1;
	[dreg:$0x2] =	wrdreg s2  }
0xa9: {  	[dreg:$0x3] =	wrdreg s4  }
0xaa: {  	[dreg:$0x4] =	wrdreg $0xC0  }
0xab: {  	_ =	task [dreg:s6], $0x5FFFF  }
0xac: {  	[dreg:$0x1] =	wrdreg $0xFFFFFFFF  }
0xad: {  	[dreg:$0x0] =	wrdreg $0x60  }
0xae: {  	[dreg:$0x2] =	wrdreg s24  }
0xaf: {  	[dreg:$0x3] =	wrdreg $0x10D000  }
0xb0: {  	[dreg:$0x4] =	wrdreg $0xBD000  }
0xb1: {  	[dreg:$0x5] =	wrdreg $0x9  }
0xb2: {  	_ =	task.clear_ibuf [dreg:s6], $0x6FFFF;
	_ =	strace $0x90000049  }
0xb3: {  	s29 =	simm.s32 $0x9;
	_ =	strace $0x8000004B  }
0xb4: {  	_ =	swait.ge [sflag:s29], $0x1  }
0xb5: {  	[sflag:s29] =	ssyncadd.s32 $0xFFFFFFFF  }
0xb6: {  	_ =	strace $0x9000004B  }
0xb7: {  	_ =	sfence  }
0xb8: {  	s30 =	sld [smem:$0x0];
	_ =	sdelay $0x2  }
0xb9: {  	s31 =	sshll.u32 s1, $0xD;
	s1 =	sshrl.u32 s1, $0x2  }
0xba: {  	s3 =	sand.u32 $0x4000, s31;
	s1 =	sadd.s32 s1, s30  }
0xbb: {  	s0 =	sor.u32 s3, s0;
	s1 =	sshll.u32 s1, $0x11  }
0xbc: {  	s0 =	sor.u32 s1, s0  }
0xbd: {  	s0 =	sadd.s32 $0x8F2B, s0  }
0xbe: {  	[sflag:s0] =	ssyncadd.remote.s32 $0x1  }
0xbf: {  	_ =	sfence.sel $0xFFFF  }
0xc0: {  	[dreg:$0x0] =	wrdreg $0xFFFFFFFF;
	(pc) =	sbr.abs _section_cstart, $3  }
0xc1: {  	[dreg:$0x1] =	wrdreg $0xFFFFFFFF  }
0xc2: {  	_ =	task.clear_ibuf [dreg:s6], $0x2FFFF;
	_ =	strace $0x9FFFFFFF  }
0xc3: {  	(tm) =	ssettm $0x7FFFFFFF  }
tec
execute0_lowered:
.L_overlay_start_1:
0x0: {  	(tag) =	ssettag $0x1  }
0x1: {  	s0 =	rddreg [dreg:$0x0]  }
0x2: {  	s1 =	rddreg [dreg:$0x1];
	s3 =	stileid.u32  }
0x3: {  	s2 =	rddreg [dreg:$0x2];
	s5 =	simm.s32 $0x0;
	s7 =	srdreg.scid  }
0x4: {  	s16 =	simm.s32 $0x5;
	s19 =	simm.s32 $0x4;
	s20 =	simm.s32 $0x80  }
0x5: {  	s21 =	simm.s32 $0x9D00;
	s22 =	simm.s32 $0xAD00;
	s23 =	simm.s32 $0x2  }
0x6: {  	s4 =	smul.u32 $0x9C4, s3;
	[smem:$0x7FF] =	sst s5;
	s25 =	sadd.s32 $0x2A000, s0  }
0x7: {  	s7 =	sand.u32 $0x1, s7;
	_ =	strace $0x8000004A;
	[dreg:$0x4] =	wrdreg s25  }
0x8: {  	s11 =	sshll.u32 s7, $0x2;
	s7 =	ssub.s32 $0x2, s7;
	s24 =	sadd.s32 $0x9C4, s4  }
0x9: {  	s6 =	sshrl.u32 s4, $0x4;
	s4 =	sand.u32 $0xFFF0, s4;
	s5 =	sshrl.u32 s24, $0x4  }
0xa: {  	s29 =	sshrl.u32 s7, $0x1;
	s8 =	sadd.s32 s4, s0;
	s9 =	ssub.s32 s5, s6  }
0xb: {  	s0 =	sadd.s32 s11, s0;
	s13 =	ssub.s32 s7, s29;
	s10 =	sand.u32 $0x8000, s9  }
0xc: {  	s11 =	simm.s32 $0x1;
	s24 =	simm.s32 $0x0;
	s10 =	sshrl.u32 s10, $0xF  }
0xd: {  	p0 =	sne.s32 s5, s6;
	s5 =	simm.s32 $0x1;
	s10 =	sadd.s32 s10, s9  }
0xe: {  	s6 =	sadd.s32 $0x2600, s8;
	s7 =	sadd.s32 $0xC240, s8;
	s26 =	sand.u32 $0xFFFFFFFE, s10  }
0xf: {  	s28 =	sshra.s32 s9, $0x1F;
	s5 =	simm.s32 @!p0 $0x0;
	s12 =	ssub.s32 s9, s26  }
0x10: {  	s8 =	simm.s32 $0x1;
	s5 =	sor.u32 s5, s28;
	s30 =	sand.u32 $0xFFFF, s12  }
0x11: {  	s31 =	sshll.u32 s9, $0x7;
	p6 =	sne.s32 s5, $0x1;
	p1 =	sne.s32 s30, $0x0  }
0x12: {  	s5 =	sadd.s32 $0x16000, s0;
	s10 =	sshra.s32 s10, $0x1;
	p0 =	por !p1, !p6  }
0x13: {  	s9 =	sadd.s32 $0xFFFFFF80, s31;
	s18 =	sand.u32 $0x1, s12;
	p0 =	por !p0, !p0  }
.Ltmp0:
0x14: {  	s12 =	smax.u32 s13, $0x1;
	s11 =	simm.s32 @!p0 $0x0;
	(pc) =	sbr.rel .LBB2_1-.Ltmp0, $4  }
0x15: {  	p3 =	seq.s32 s18, $0x0;
	s18 =	simm.s32 $0x3;
	s17 =	ssub.s32 s10, s11  }
0x16: {  	p0 =	sne.s32 s3, $0x0;
	s10 =	sadd.s32 $0x4E00, s31;
	p1 =	slt.s32 s17, $0x1  }
0x17: {  	s11 =	sadd.s32 $0x34000, s0;
	s14 =	sshrl.u32 @!p0 s1, $0x3;
	p2 =	seq.s32 @!p1 s17, $0x1  }
0x18: {  	s15 =	sshrl.u32 @!p0 s2, $0x3;
	s13 =	sadd.s32 $0xFFFFFFFF, s17;
	p2 =	por p1, p2  }
.LBB2_4:
0x19: {  	[spmem:s1] =	stream.indirect.scatter.add.f32 [tilespmem:s22], [sflag:$0x4], $0x20, s3, s20, $0xb8;
	[tilespmem:$0x15D00] =	vst v63  }
.LBB2_5:
0x1a: {  	s0 =	simm.s32 @!p3 $0x3  }
0x1b: {  	_ =	swait.ge @!p3 [sflag:s0], $0x1000  }
0x1c: {  	s3 =	simm.s32 @!p3 $0x9D00;
	[sflag:s0] =	ssyncset.done @!p3 $0x0  }
0x1d: {  	s4 =	simm.s32 @!p3 $0x1;
	[sflag:s0] =	ssyncadd.s32 @!p3 $0xFFFFF000;
	s0 =	simm.s32 @!p3 $0x80  }
0x1e: {  	[tilespmem:s3], [sflag:$0x1] =	stream.indirect.gather @!p3 [spmem:s2], $0x20, s9, s0, $0xb8;
	[tilespmem:$0x15D00] =	vst v63  }
0x1f: {  	_ =	swait.ge @!p3 [sflag:s4], $0x1000  }
0x20: {  	[sflag:s4] =	ssyncset.done @!p3 $0x0  }
0x21: {  	[sflag:s4] =	ssyncadd.s32 @!p3 $0xFFFFF000  }
0x22: {  	[spmem:s1] =	stream.indirect.scatter.add.f32 @!p3 [tilespmem:s3], [sflag:$0x3], $0x20, s10, s0, $0xb8;
	[tilespmem:$0x15D00] =	vst v63  }
0x23: {  	_ =	swait.ge [sflag:s18], $0x1000  }
0x24: {  	[sflag:s18] =	ssyncset.done $0x0  }
0x25: {  	[sflag:s18] =	ssyncadd.s32 $0xFFFFF000  }
0x26: {  	_ =	swait.ge [sflag:s19], $0x1000  }
0x27: {  	s24 =	sadd.s32 $0x1, s24;
	[sflag:s19] =	ssyncset.done $0x0  }
0x28: {  	p4 =	sne.s32 s24, s12;
	[sflag:s19] =	ssyncadd.s32 $0xFFFFF000  }
.Ltmp1:
0x29: {  	[bflag:$0x0] =	sbarrier.arrive $0xFFFF;
	(pc) =	sbr.rel @!p4 .LBB2_6-.Ltmp1, $4  }
0x2a: {  	[hbm:s11@s30], [sflag:s26] =	dma.strided @!p0 [spmem:s14@s29], $0xA000, s28, $0x4   }
0x2b: {  	_ =	swait.ge @!p0 [sflag:s25], $0xA000  }
0x2c: {  	[sflag:s25] =	ssyncset.done @!p0 $0x0  }
0x2d: {  	[sflag:s25] =	ssyncadd.s32 @!p0 $0xFFFF6000  }
.LBB2_1:
0x2e: {  	s26 =	simm.s32 @!p0 $0x1C05;
	s0 =	rddreg [dreg:$0x4];
	s25 =	simm.s32 @!p0 $0x5  }
0x2f: {  	[spmem:s14], [sflag:s26] =	dma.local @!p0 [hbm:s0], $0xA000  }
0x30: {  	_ =	swait.ge @!p0 [sflag:s25], $0xA000  }
0x31: {  	s28 =	simm.s32 @!p0 $0x1;
	[sflag:s25] =	ssyncset.done @!p0 $0x0  }
0x32: {  	s29 =	simm.s32 @!p0 $0x4;
	s30 =	simm.s32 @!p0 $0x8;
	[sflag:s25] =	ssyncadd.s32 @!p0 $0xFFFF6000  }
0x33: {  	[spmem:s15@s29], [sflag:s26] =	dma.strided @!p0 [hbm:s5@s30], $0xA000, s28, $0x4   }
0x34: {  	_ =	swait.ge @!p0 [sflag:s25], $0xA000  }
0x35: {  	[sflag:s25] =	ssyncset.done @!p0 $0x0  }
0x36: {  	s31 =	simm.s32 $0x0;
	[sflag:s25] =	ssyncadd.s32 @!p0 $0xFFFF6000  }
0x37: {  	[tilespmem:s31], [sflag:$0x5] =	stream.linear.gather [hbm4b:s6+s31], $0x4E80, $0x38;
	[tilespmem:$0x15D00] =	vst v63  }
0x38: {  	_ =	swait.ge [sflag:s16], $0x4E80  }
0x39: {  	[sflag:s16] =	ssyncset.done $0x0  }
0x3a: {  	s3 =	simm.s32 $0x4E80;
	[sflag:s16] =	ssyncadd.s32 $0xFFFFB180  }
0x3b: {  	[tilespmem:s3], [sflag:$0x5] =	stream.linear.gather [hbm4b:s7+s31], $0x4E80, $0x38;
	[tilespmem:$0x15D00] =	vst v63  }
0x3c: {  	_ =	swait.ge [sflag:s16], $0x4E80  }
0x3d: {  	[sflag:s16] =	ssyncset.done $0x0  }
0x3e: {  	s17 =	simm.s32 @!p1 $0x9D00;
	[sflag:s16] =	ssyncadd.s32 $0xFFFFB180  }
0x3f: {  	s0 =	simm.s32 @!p1 $0x80;
	s3 =	simm.s32 @!p1 $0x0;
	[bflag:$0x0] =	sbarrier.arrive $0xFFFF  }
0x40: {  	[tilespmem:s17], [sflag:$0x1] =	stream.indirect.gather @!p1 [spmem:s2], $0x20, s3, s0, $0xb8;
	[tilespmem:$0x15D00] =	vst v63  }
0x41: {  	s31 =	simm.s32 @!p1 $0x1;
	s3 =	simm.s32 @!p1 $0xAD00  }
0x42: {  	[tilespmem:s3], [sflag:$0x2] =	stream.indirect.gather @!p1 [spmem:s2], $0x20, s0, s0, $0xb8;
	[tilespmem:$0x15D00] =	vst v63  }
0x43: {  	_ =	swait.ge @!p1 [sflag:s31], $0x1000  }
0x44: {  	[sflag:s31] =	ssyncset.done @!p1 $0x0  }
0x45: {  	[sflag:s31] =	ssyncadd.s32 @!p1 $0xFFFFF000;
	s31 =	simm.s32 @!p1 $0x4E80  }
0x46: {  	[spmem:s1] =	stream.indirect.scatter.add.f32 @!p1 [tilespmem:s17], [sflag:$0x3], $0x20, s31, s0, $0xb8;
	[tilespmem:$0x15D00] =	vst v63  }
.Ltmp2:
0x47: {  	s17 =	simm.s32 @!p1 $0x2;
	(pc) =	sbr.rel @p2 .LBB2_5-.Ltmp2, $4  }
0x48: {  	_ =	swait.ge @!p1 [sflag:s17], $0x1000  }
0x49: {  	[sflag:s17] =	ssyncset.done @!p1 $0x0  }
0x4a: {  	[sflag:s17] =	ssyncadd.s32 @!p1 $0xFFFFF000;
	s17 =	simm.s32 @!p1 $0x4F00  }
0x4b: {  	[spmem:s1] =	stream.indirect.scatter.add.f32 @!p1 [tilespmem:s3], [sflag:$0x4], $0x20, s17, s0, $0xb8;
	[tilespmem:$0x15D00] =	vst v63  }
0x4c: {  	_ =	swait.ge [sflag:s18], $0x1000  }
0x4d: {  	[sflag:s18] =	ssyncset.done $0x0  }
0x4e: {  	s0 =	simm.s32 @!p1 $0x100;
	[sflag:s18] =	ssyncadd.s32 $0xFFFFF000  }
0x4f: {  	[tilespmem:s21], [sflag:$0x1] =	stream.indirect.gather [spmem:s2], $0x20, s0, s20, $0xb8;
	[tilespmem:$0x15D00] =	vst v63  }
0x50: {  	_ =	swait.ge [sflag:s19], $0x1000  }
0x51: {  	[sflag:s19] =	ssyncset.done $0x0  }
0x52: {  	s17 =	simm.s32 $0x180;
	[sflag:s19] =	ssyncadd.s32 $0xFFFFF000  }
0x53: {  	[tilespmem:s22], [sflag:$0x2] =	stream.indirect.gather [spmem:s2], $0x20, s17, s20, $0xb8;
	[tilespmem:$0x15D00] =	vst v63  }
0x54: {  	_ =	swait.ge [sflag:s8], $0x1000  }
0x55: {  	p4 =	sne.s32 s13, $0x1;
	[sflag:s8] =	ssyncset.done $0x0  }
.Ltmp3:
0x56: {  	s0 =	simm.s32 @!p1 $0x4F80;
	[sflag:s8] =	ssyncadd.s32 $0xFFFFF000;
	(pc) =	sbr.rel @!p4 .LBB2_4-.Ltmp3, $4  }
0x57: {  	[spmem:s1] =	stream.indirect.scatter.add.f32 [tilespmem:s21], [sflag:$0x3], $0x20, s0, s20, $0xb8;
	[tilespmem:$0x15D00] =	vst v63  }
0x58: {  	_ =	swait.ge [sflag:s23], $0x1000  }
0x59: {  	s31 =	sadd.s32 $0xFFFFFFFF, s13;
	s3 =	simm.s32 $0x5000;
	[sflag:s23] =	ssyncset.done $0x0  }
0x5a: {  	s17 =	simm.s32 $0x200;
	s0 =	simm.s32 $0x5080;
	[sflag:s23] =	ssyncadd.s32 $0xFFFFF000  }
.LBB2_3:
0x5b: {  	[spmem:s1] =	stream.indirect.scatter.add.f32 [tilespmem:s22], [sflag:$0x4], $0x20, s3, s20, $0xb8;
	[tilespmem:$0x15D00] =	vst v63  }
0x5c: {  	p4 =	sne.s32 s31, $0x1;
	s31 =	sadd.s32 $0xFFFFFFFF, s31;
	_ =	swait.ge [sflag:s18], $0x1000  }
0x5d: {  	s3 =	smov.u32 s0;
	[sflag:s18] =	ssyncset.done $0x0  }
0x5e: {  	[sflag:s18] =	ssyncadd.s32 $0xFFFFF000  }
0x5f: {  	[tilespmem:s21], [sflag:$0x1] =	stream.indirect.gather [spmem:s2], $0x20, s17, s20, $0xb8;
	[tilespmem:$0x15D00] =	vst v63  }
0x60: {  	_ =	swait.ge [sflag:s19], $0x1000  }
0x61: {  	[sflag:s19] =	ssyncset.done $0x0  }
0x62: {  	s4 =	sadd.s32 $0x80, s17;
	[sflag:s19] =	ssyncadd.s32 $0xFFFFF000  }
0x63: {  	[tilespmem:s22], [sflag:$0x2] =	stream.indirect.gather [spmem:s2], $0x20, s4, s20, $0xb8;
	[tilespmem:$0x15D00] =	vst v63  }
0x64: {  	_ =	swait.ge [sflag:s8], $0x1000  }
0x65: {  	[sflag:s8] =	ssyncset.done $0x0  }
.Ltmp4:
0x66: {  	[sflag:s8] =	ssyncadd.s32 $0xFFFFF000;
	(pc) =	sbr.rel @p4 .LBB2_3-.Ltmp4, $4  }
0x67: {  	[spmem:s1] =	stream.indirect.scatter.add.f32 [tilespmem:s21], [sflag:$0x3], $0x20, s0, s20, $0xb8;
	[tilespmem:$0x15D00] =	vst v63  }
0x68: {  	_ =	swait.ge [sflag:s23], $0x1000  }
0x69: {  	s0 =	sadd.s32 $0x100, s0;
	[sflag:s23] =	ssyncset.done $0x0  }
0x6a: {  	s3 =	sadd.s32 $0x80, s3;
	s17 =	sadd.s32 $0x100, s17;
	[sflag:s23] =	ssyncadd.s32 $0xFFFFF000  }
.Ltmp5:
0x6b: {  	_ = 	snop;
	(pc) =	sbr.rel .LBB2_4-.Ltmp5, $1  }
0x6c: {  	_ =	sdelay $0x3  }
.LBB2_6:
0x6d: {  	_ =	sfence.sel $0x180000  }
0x6e: {  	[bflag:$0x0] =	sbarrier.arrive $0xFFFF  }
0x6f: {  	_ =	strace $0x9000004A  }
0x70: {  	[bflag:$0x2] =	sbarrier.arrive $0xFFFF  }
0x71: {  	s0 =	rddreg [dreg:$0x3]  }
0x72: {  	s0 =	sadd.s32 @!p0 $0x100000, s0  }
0x73: {  	[sflag:s0] =	ssyncadd.tile.s32 @!p0 $0x1;
	_ =	shalt  }
.Lfunc_end2:
_tile_overlayer_lowered:
.L_overlay_start_2:
0x74: {  	(tag) =	ssettag $0x2  }
0x75: {  	s0 =	rddreg [dreg:$0x0];
	s2 =	stileid.u32  }
0x76: {  	s1 =	rddreg [dreg:$0x1];
	p0 =	sne.s32 s2, $0x0  }
0x77: {  	s3 =	rddreg [dreg:$0x2];
	[bflag:$0x3] =	sbarrier.arrive $0xFFFF;
	s2 =	simm.s32 @!p0 $0x1C05  }
0x78: {  	[timem:s3], [sflag:s2] =	dma.local @!p0 [hbm:s0], s1  }
0x79: {  	s0 =	simm.s32 @!p0 $0x5  }
0x7a: {  	_ =	swait.ge @!p0 [sflag:s0], s1  }
0x7b: {  	s1 =	ssub.s32 @!p0 $0x0, s1;
	[sflag:s0] =	ssyncset.done @!p0 $0x0  }
0x7c: {  	[sflag:s0] =	ssyncadd.s32 @!p0 s1  }
0x7d: {  	[bflag:$0x3] =	sbarrier.arrive $0xFFFF  }
0x7e: {  	_ =	shalt  }

// kernel: kernel.14.cloned.1.call-start
scs
__scs_entry_jumppad:
0x0: {  	(pc) =	sbr.rel $0x88, $3  }
0x1: {  	(tag) =	ssettag $0x0;
	lr =	simm.s32 $0x1  }
0x2: {  	[smem:$0x3F97] =	sst lr;
	_ =	strace $0xD0000000  }
0x3: {  	_ = 	snop  }
0x4: {  	_ = 	snop  }
0x5: {  	_ = 	snop  }
0x6: {  	_ = 	snop  }
0x7: {  	_ = 	snop  }
__scs_overlays_trampoline_lowered:
0x8: {  	[smem:$0x3FA6] =	sst s0  }
0x9: {  	[smem:$0x3FA7] =	sst s1  }
0xa: {  	[smem:$0x3FA8] =	sst s2  }
0xb: {  	[smem:$0x3FA9] =	sst s3  }
0xc: {  	[smem:$0x3FAA] =	sst s4  }
0xd: {  	[smem:$0x3FAB] =	sst s5  }
0xe: {  	[smem:$0x3FAC] =	sst s6  }
0xf: {  	[smem:$0x3FAD] =	sst s7  }
0x10: {  	[smem:$0x3FAE] =	sst s8  }
0x11: {  	[smem:$0x3FAF] =	sst s9;
	s0 =	simm.s32 @!p0 $0x0  }
0x12: {  	s1 =	sld [smem:$0x3F95];
	s0 =	simm.s32 @p0 $0x1  }
0x13: {  	[smem:$0x3FB0] =	sst s0;
	s0 =	simm.s32 @!p1 $0x0  }
0x14: {  	s2 =	sld [smem:$0x3F94];
	s0 =	simm.s32 @p1 $0x1  }
0x15: {  	[smem:$0x3FB1] =	sst s0;
	s0 =	simm.s32 @!p2 $0x0  }
0x16: {  	s3 =	sld [smem:$0x3FDB];
	s0 =	simm.s32 @p2 $0x1  }
0x17: {  	s4 =	simm.s32 $0x1BF5;
	[smem:$0x3FB3] =	sst s0  }
0x18: {  	s0 =	sld [smem:$0x3F96];
	_ =	swait.ge [sflag:s4], $0x0  }
0x19: {  	s7 =	sld [smem:$0x3F97]  }
0x1a: {  	s8 =	sadd.s32 $0xFFFFE003, lr  }
0x1b: {  	s9 =	sadd.s32 $0xFFFFFEF7, lr;
	s5 =	simm.s32 $0xFFFFFFFF;
	p2 =	slt.u32 s8, $0xFFFFF086  }
0x1c: {  	p1 =	slt.u32 s9, $0xF7A;
	s5 =	simm.s32 @!p2 $0x0  }
0x1d: {  	s5 =	simm.s32 @p1 $0x1;
	p0 =	seq.s32 s7, s2  }
0x1e: {  	s7 =	smul.u32 @!p0 $0xF7A, s2;
	p2 =	seq.s32 @!p0 s5, $0x0  }
0x1f: {  	s9 =	smul.u32 $0xF7A, s1;
	s8 =	simm.s32 @!p0 $0x1BF5;
	p2 =	por !p2, p0  }
0x20: {  	[sflag:s8] =	ssyncset.s32 @!p0 $0xFFFFF086;
	s6 =	sadd.s32 @!p0 s3, s7;
	s7 =	simm.s32 @!p0 $0x108  }
0x21: {  	s3 =	sadd.s32 s3, s9;
	s6 =	sadd.s32 @!p0 $0x88, s6;
	s7 =	simm.s32 @p2 $0x1082  }
0x22: {  	[simem:s7], [sflag:s8] =	dma.local @!p0 [hbm:s6], $0xF7A  }
0x23: {  	s9 =	sor.u32 $0xD0000000, s2;
	s6 =	simm.s32 $0x108;
	_ =	swait.ge @!p0 [sflag:s8], $0x0  }
0x24: {  	s3 =	sadd.s32 $0x88, s3;
	s6 =	simm.s32 @!p1 $0x1082;
	[sflag:s4] =	ssyncset.s32 $0xFFFFF086  }
0x25: {  	[simem:s6], [sflag:s4] =	dma.local [hbm:s3], $0xF7A  }
0x26: {  	[smem:$0x3F97] =	sst s1;
	(tag) =	ssettag s2;
	_ =	strace s9  }
0x27: {  	s1 =	sld [smem:$0x3FA7]  }
0x28: {  	s2 =	sld [smem:$0x3FA8]  }
0x29: {  	s4 =	sld [smem:$0x3FAA]  }
0x2a: {  	p0 =	seq.s32 s5, $0x0;
	s5 =	sld [smem:$0x3FAB]  }
0x2b: {  	s6 =	sld [smem:$0x3FAC]  }
0x2c: {  	s7 =	sld [smem:$0x3FAD]  }
0x2d: {  	s3 =	simm.s32 $0x108;
	s8 =	sld [smem:$0x3FAE]  }
0x2e: {  	s3 =	simm.s32 @!p0 $0x1082;
	s9 =	sld [smem:$0x3FAF]  }
0x2f: {  	lr =	sadd.s32 s0, s3;
	s0 =	sld [smem:$0x3FA6]  }
0x30: {  	s3 =	sld [smem:$0x3FA9]  }
0x31: {  	[smem:$0x3FB2] =	sst s10  }
0x32: {  	s10 =	sld [smem:$0x3FB0];
	_ =	sdelay $0x3  }
0x33: {  	p0 =	seq.s32 s10, $0x1;
	s10 =	sld [smem:$0x3FB2];
	_ =	sdelay $0x3  }
0x34: {  	[smem:$0x3FB2] =	sst s10  }
0x35: {  	s10 =	sld [smem:$0x3FB1];
	_ =	sdelay $0x3  }
0x36: {  	p1 =	seq.s32 s10, $0x1;
	s10 =	sld [smem:$0x3FB2];
	_ =	sdelay $0x3  }
0x37: {  	[smem:$0x3FB2] =	sst s10  }
0x38: {  	s10 =	sld [smem:$0x3FB3]  }
0x39: {  	_ = 	snop;
	(pc) =	sbr.ind lr, $3  }
0x3a: {  	_ = 	snop  }
0x3b: {  	_ = 	snop  }
0x3c: {  	p2 =	seq.s32 s10, $0x1;
	s10 =	sld [smem:$0x3FB2]  }
0x3d: {  	_ =	shalt  }
0x3e: {  	_ =	shalt  }
0x3f: {  	_ =	shalt  }
0x40: {  	_ =	shalt  }
0x41: {  	_ =	shalt  }
0x42: {  	_ =	shalt  }
0x43: {  	_ =	shalt  }
0x44: {  	_ =	shalt  }
0x45: {  	_ =	shalt  }
0x46: {  	_ =	shalt  }
0x47: {  	_ =	shalt  }
0x48: {  	_ =	shalt  }
0x49: {  	_ =	shalt  }
0x4a: {  	_ =	shalt  }
0x4b: {  	_ =	shalt  }
0x4c: {  	_ =	shalt  }
0x4d: {  	_ =	shalt  }
0x4e: {  	_ =	shalt  }
0x4f: {  	_ =	shalt  }
0x50: {  	_ =	shalt  }
0x51: {  	_ =	shalt  }
0x52: {  	_ =	shalt  }
0x53: {  	_ =	shalt  }
0x54: {  	_ =	shalt  }
0x55: {  	_ =	shalt  }
0x56: {  	_ =	shalt  }
0x57: {  	_ =	shalt  }
0x58: {  	_ =	shalt  }
0x59: {  	_ =	shalt  }
0x5a: {  	_ =	shalt  }
0x5b: {  	_ =	shalt  }
0x5c: {  	_ =	shalt  }
0x5d: {  	_ =	shalt  }
0x5e: {  	_ =	shalt  }
0x5f: {  	_ =	shalt  }
0x60: {  	_ =	shalt  }
0x61: {  	_ =	shalt  }
0x62: {  	_ =	shalt  }
0x63: {  	_ =	shalt  }
0x64: {  	_ =	shalt  }
0x65: {  	_ =	shalt  }
0x66: {  	_ =	shalt  }
0x67: {  	_ =	shalt  }
0x68: {  	_ =	shalt  }
0x69: {  	_ =	shalt  }
0x6a: {  	_ =	shalt  }
0x6b: {  	_ =	shalt  }
0x6c: {  	_ =	shalt  }
0x6d: {  	_ =	shalt  }
0x6e: {  	_ =	shalt  }
0x6f: {  	_ =	shalt  }
0x70: {  	_ =	shalt  }
0x71: {  	_ =	shalt  }
0x72: {  	_ =	shalt  }
0x73: {  	_ =	shalt  }
0x74: {  	_ =	shalt  }
0x75: {  	_ =	shalt  }
0x76: {  	_ =	shalt  }
0x77: {  	_ =	shalt  }
0x78: {  	_ =	shalt  }
0x79: {  	_ =	shalt  }
0x7a: {  	_ =	shalt  }
0x7b: {  	_ =	shalt  }
0x7c: {  	_ =	shalt  }
0x7d: {  	_ =	shalt  }
0x7e: {  	_ =	shalt  }
0x7f: {  	_ =	shalt  }
0x80: {  	_ =	shalt  }
0x81: {  	_ =	shalt  }
0x82: {  	_ =	shalt  }
0x83: {  	_ =	shalt  }
0x84: {  	_ =	shalt  }
0x85: {  	_ =	shalt  }
0x86: {  	_ =	shalt  }
0x87: {  	_ =	shalt  }
.Lfunc_end0:
.L_simem_size_0:
called_computation.2_lowered:
.L_overlay_start_0:
0x88: {  	s2 =	sld [smem:$0x3FD9]  }
0x89: {  	s3 =	sld [smem:$0x3FFE];
	_ =	sdelay $0x1  }
0x8a: {  	s1 =	srdreg.scid  }
0x8b: {  	s0 =	sand.u32 $0x1, s1  }
0x8c: {  	s16 =	sshll.u32 s0, $0xA;
	s2 =	sadd.s32 s3, s2  }
0x8d: {  	s2 =	sadd.s32 s2, s16  }
0x8e: {  	[smem:$0x3FBE] =	sst s2  }
0x8f: {  	_ = 	snop  }
0x90: {  	(tm) =	ssettm $0x1  }
0x91: {  	s17 =	sld [smem:$0x3FFB];
	_ =	sdelay $0x3  }
0x92: {  	_ =	strace s17  }
0x93: {  	s2 =	sld [smem:$0x3FFC];
	_ =	sdelay $0x3  }
0x94: {  	_ =	strace s2  }
0x95: {  	s2 =	sld [smem:$0x3FFD];
	_ =	sdelay $0x3  }
0x96: {  	_ =	strace s2  }
0x97: {  	_ =	strace $0x8FFFFFFF  }
0x98: {  	s18 =	sld [smem:$0x3FDB];
	_ =	sdelay $0x1  }
0x99: {  	s19 =	simm.s32 $_scs_section_size  }
0x9a: {  	s4 =	simm.s32 $_size__tile_overlayer_lowered;
	s5 =	simm.s32 $_tile_overlayer_lowered  }
0x9b: {  	s22 =	simm.s32 $0x1BFF;
	s21 =	sshll.u32 s5, $0x1;
	s2 =	sadd.s32 s19, s18  }
0x9c: {  	s6 =	simm.s32 $0x0;
	s20 =	sshll.u32 s4, $0x1;
	s4 =	sadd.s32 s21, s2  }
0x9d: {  	[timem:s6], [sflag:s22] =	dma.local [hbm:s4], s20  }
0x9e: {  	_ =	swait.ge [sflag:s22], s20  }
0x9f: {  	s3 =	ssub.s32 $0x0, s20;
	[sflag:s22] =	ssyncset.done $0x0  }
0xa0: {  	[sflag:s22] =	ssyncadd.s32 s3;
	_ =	sdelay $0x1  }
0xa1: {  	s23 =	simm.s32 $0x1B8B  }
0xa2: {  	_ =	swait.ge [sflag:s23], $0x1  }
0xa3: {  	[sflag:s23] =	ssyncset.done $0x0  }
0xa4: {  	s25 =	simm.s32 $0x1B8E;
	s24 =	sld [smem:$0x3FFE];
	[sflag:s23] =	ssyncadd.s32 $0xFFFFFFFF  }
0xa5: {  	s26 =	simm.s32 $execute0_lowered;
	[smem:$0x3FD2] =	sst s25  }
0xa6: {  	s4 =	sshll.u32 s26, $0x1;
	_ =	strace $0x8000004C;
	[dreg:$0x1] =	wrdreg $0xFFFFFFFF  }
0xa7: {  	s28 =	simm.s32 $_size_execute0_lowered;
	s2 =	sadd.s32 s2, s4;
	[dreg:$0x0] =	wrdreg $0x0  }
0xa8: {  	s4 =	sshll.u32 s28, $0x1;
	[dreg:$0x2] =	wrdreg s2  }
0xa9: {  	[dreg:$0x3] =	wrdreg s4  }
0xaa: {  	[dreg:$0x4] =	wrdreg $0xC0  }
0xab: {  	_ =	task [dreg:s6], $0x5FFFF  }
0xac: {  	[dreg:$0x1] =	wrdreg $0xFFFFFFFF  }
0xad: {  	[dreg:$0x0] =	wrdreg $0x60  }
0xae: {  	[dreg:$0x2] =	wrdreg s24  }
0xaf: {  	[dreg:$0x3] =	wrdreg $0x10D000  }
0xb0: {  	[dreg:$0x4] =	wrdreg $0xBD000  }
0xb1: {  	[dreg:$0x5] =	wrdreg $0x9  }
0xb2: {  	_ =	task.clear_ibuf [dreg:s6], $0x6FFFF;
	_ =	strace $0x9000004C  }
0xb3: {  	s29 =	simm.s32 $0x9;
	_ =	strace $0x8000004E  }
0xb4: {  	_ =	swait.ge [sflag:s29], $0x1  }
0xb5: {  	[sflag:s29] =	ssyncadd.s32 $0xFFFFFFFF  }
0xb6: {  	_ =	strace $0x9000004E  }
0xb7: {  	_ =	sfence  }
0xb8: {  	s30 =	sld [smem:$0x0];
	_ =	sdelay $0x2  }
0xb9: {  	s31 =	sshll.u32 s1, $0xD;
	s1 =	sshrl.u32 s1, $0x2  }
0xba: {  	s3 =	sand.u32 $0x4000, s31;
	s1 =	sadd.s32 s1, s30  }
0xbb: {  	s0 =	sor.u32 s3, s0;
	s1 =	sshll.u32 s1, $0x11  }
0xbc: {  	s0 =	sor.u32 s1, s0  }
0xbd: {  	s0 =	sadd.s32 $0x8F2B, s0  }
0xbe: {  	[sflag:s0] =	ssyncadd.remote.s32 $0x1  }
0xbf: {  	_ =	sfence.sel $0xFFFF  }
0xc0: {  	[dreg:$0x0] =	wrdreg $0xFFFFFFFF;
	(pc) =	sbr.abs _section_cstart, $3  }
0xc1: {  	[dreg:$0x1] =	wrdreg $0xFFFFFFFF  }
0xc2: {  	_ =	task.clear_ibuf [dreg:s6], $0x2FFFF;
	_ =	strace $0x9FFFFFFF  }
0xc3: {  	(tm) =	ssettm $0x7FFFFFFF  }
tec
execute0_lowered:
.L_overlay_start_1:
0x0: {  	(tag) =	ssettag $0x1  }
0x1: {  	s0 =	rddreg [dreg:$0x0]  }
0x2: {  	s1 =	rddreg [dreg:$0x1];
	s3 =	stileid.u32  }
0x3: {  	s2 =	rddreg [dreg:$0x2];
	s5 =	simm.s32 $0x0;
	s7 =	srdreg.scid  }
0x4: {  	s16 =	simm.s32 $0x5;
	s19 =	simm.s32 $0x4;
	s20 =	simm.s32 $0x80  }
0x5: {  	s21 =	simm.s32 $0x9D00;
	s22 =	simm.s32 $0xAD00;
	s23 =	simm.s32 $0x2  }
0x6: {  	s4 =	smul.u32 $0x9C4, s3;
	[smem:$0x7FF] =	sst s5;
	s25 =	sadd.s32 $0x2A000, s0  }
0x7: {  	s7 =	sand.u32 $0x1, s7;
	_ =	strace $0x8000004D;
	[dreg:$0x4] =	wrdreg s25  }
0x8: {  	s11 =	sshll.u32 s7, $0x2;
	s7 =	ssub.s32 $0x2, s7;
	s24 =	sadd.s32 $0x9C4, s4  }
0x9: {  	s6 =	sshrl.u32 s4, $0x4;
	s4 =	sand.u32 $0xFFF0, s4;
	s5 =	sshrl.u32 s24, $0x4  }
0xa: {  	s29 =	sshrl.u32 s7, $0x1;
	s8 =	sadd.s32 s4, s0;
	s9 =	ssub.s32 s5, s6  }
0xb: {  	s0 =	sadd.s32 s11, s0;
	s13 =	ssub.s32 s7, s29;
	s10 =	sand.u32 $0x8000, s9  }
0xc: {  	s11 =	simm.s32 $0x1;
	s24 =	simm.s32 $0x0;
	s10 =	sshrl.u32 s10, $0xF  }
0xd: {  	p0 =	sne.s32 s5, s6;
	s5 =	simm.s32 $0x1;
	s10 =	sadd.s32 s10, s9  }
0xe: {  	s6 =	sadd.s32 $0x2600, s8;
	s7 =	sadd.s32 $0xC240, s8;
	s26 =	sand.u32 $0xFFFFFFFE, s10  }
0xf: {  	s28 =	sshra.s32 s9, $0x1F;
	s5 =	simm.s32 @!p0 $0x0;
	s12 =	ssub.s32 s9, s26  }
0x10: {  	s8 =	simm.s32 $0x1;
	s5 =	sor.u32 s5, s28;
	s30 =	sand.u32 $0xFFFF, s12  }
0x11: {  	s31 =	sshll.u32 s9, $0x7;
	p6 =	sne.s32 s5, $0x1;
	p1 =	sne.s32 s30, $0x0  }
0x12: {  	s5 =	sadd.s32 $0x16000, s0;
	s10 =	sshra.s32 s10, $0x1;
	p0 =	por !p1, !p6  }
0x13: {  	s9 =	sadd.s32 $0xFFFFFF80, s31;
	s18 =	sand.u32 $0x1, s12;
	p0 =	por !p0, !p0  }
.Ltmp0:
0x14: {  	s12 =	smax.u32 s13, $0x1;
	s11 =	simm.s32 @!p0 $0x0;
	(pc) =	sbr.rel .LBB2_1-.Ltmp0, $4  }
0x15: {  	p3 =	seq.s32 s18, $0x0;
	s18 =	simm.s32 $0x3;
	s17 =	ssub.s32 s10, s11  }
0x16: {  	p0 =	sne.s32 s3, $0x0;
	s10 =	sadd.s32 $0x4E00, s31;
	p1 =	slt.s32 s17, $0x1  }
0x17: {  	s11 =	sadd.s32 $0x34000, s0;
	s14 =	sshrl.u32 @!p0 s1, $0x3;
	p2 =	seq.s32 @!p1 s17, $0x1  }
0x18: {  	s15 =	sshrl.u32 @!p0 s2, $0x3;
	s13 =	sadd.s32 $0xFFFFFFFF, s17;
	p2 =	por p1, p2  }
.LBB2_4:
0x19: {  	[spmem:s1] =	stream.indirect.scatter.add.f32 [tilespmem:s22], [sflag:$0x4], $0x20, s3, s20, $0xb8;
	[tilespmem:$0x15D00] =	vst v63  }
.LBB2_5:
0x1a: {  	s0 =	simm.s32 @!p3 $0x3  }
0x1b: {  	_ =	swait.ge @!p3 [sflag:s0], $0x1000  }
0x1c: {  	s3 =	simm.s32 @!p3 $0x9D00;
	[sflag:s0] =	ssyncset.done @!p3 $0x0  }
0x1d: {  	s4 =	simm.s32 @!p3 $0x1;
	[sflag:s0] =	ssyncadd.s32 @!p3 $0xFFFFF000;
	s0 =	simm.s32 @!p3 $0x80  }
0x1e: {  	[tilespmem:s3], [sflag:$0x1] =	stream.indirect.gather @!p3 [spmem:s2], $0x20, s9, s0, $0xb8;
	[tilespmem:$0x15D00] =	vst v63  }
0x1f: {  	_ =	swait.ge @!p3 [sflag:s4], $0x1000  }
0x20: {  	[sflag:s4] =	ssyncset.done @!p3 $0x0  }
0x21: {  	[sflag:s4] =	ssyncadd.s32 @!p3 $0xFFFFF000  }
0x22: {  	[spmem:s1] =	stream.indirect.scatter.add.f32 @!p3 [tilespmem:s3], [sflag:$0x3], $0x20, s10, s0, $0xb8;
	[tilespmem:$0x15D00] =	vst v63  }
0x23: {  	_ =	swait.ge [sflag:s18], $0x1000  }
0x24: {  	[sflag:s18] =	ssyncset.done $0x0  }
0x25: {  	[sflag:s18] =	ssyncadd.s32 $0xFFFFF000  }
0x26: {  	_ =	swait.ge [sflag:s19], $0x1000  }
0x27: {  	s24 =	sadd.s32 $0x1, s24;
	[sflag:s19] =	ssyncset.done $0x0  }
0x28: {  	p4 =	sne.s32 s24, s12;
	[sflag:s19] =	ssyncadd.s32 $0xFFFFF000  }
.Ltmp1:
0x29: {  	[bflag:$0x0] =	sbarrier.arrive $0xFFFF;
	(pc) =	sbr.rel @!p4 .LBB2_6-.Ltmp1, $4  }
0x2a: {  	[hbm:s11@s30], [sflag:s26] =	dma.strided @!p0 [spmem:s14@s29], $0xA000, s28, $0x4   }
0x2b: {  	_ =	swait.ge @!p0 [sflag:s25], $0xA000  }
0x2c: {  	[sflag:s25] =	ssyncset.done @!p0 $0x0  }
0x2d: {  	[sflag:s25] =	ssyncadd.s32 @!p0 $0xFFFF6000  }
.LBB2_1:
0x2e: {  	s26 =	simm.s32 @!p0 $0x1C05;
	s0 =	rddreg [dreg:$0x4];
	s25 =	simm.s32 @!p0 $0x5  }
0x2f: {  	[spmem:s14], [sflag:s26] =	dma.local @!p0 [hbm:s0], $0xA000  }
0x30: {  	_ =	swait.ge @!p0 [sflag:s25], $0xA000  }
0x31: {  	s28 =	simm.s32 @!p0 $0x1;
	[sflag:s25] =	ssyncset.done @!p0 $0x0  }
0x32: {  	s29 =	simm.s32 @!p0 $0x4;
	s30 =	simm.s32 @!p0 $0x8;
	[sflag:s25] =	ssyncadd.s32 @!p0 $0xFFFF6000  }
0x33: {  	[spmem:s15@s29], [sflag:s26] =	dma.strided @!p0 [hbm:s5@s30], $0xA000, s28, $0x4   }
0x34: {  	_ =	swait.ge @!p0 [sflag:s25], $0xA000  }
0x35: {  	[sflag:s25] =	ssyncset.done @!p0 $0x0  }
0x36: {  	s31 =	simm.s32 $0x0;
	[sflag:s25] =	ssyncadd.s32 @!p0 $0xFFFF6000  }
0x37: {  	[tilespmem:s31], [sflag:$0x5] =	stream.linear.gather [hbm4b:s6+s31], $0x4E80, $0x38;
	[tilespmem:$0x15D00] =	vst v63  }
0x38: {  	_ =	swait.ge [sflag:s16], $0x4E80  }
0x39: {  	[sflag:s16] =	ssyncset.done $0x0  }
0x3a: {  	s3 =	simm.s32 $0x4E80;
	[sflag:s16] =	ssyncadd.s32 $0xFFFFB180  }
0x3b: {  	[tilespmem:s3], [sflag:$0x5] =	stream.linear.gather [hbm4b:s7+s31], $0x4E80, $0x38;
	[tilespmem:$0x15D00] =	vst v63  }
0x3c: {  	_ =	swait.ge [sflag:s16], $0x4E80  }
0x3d: {  	[sflag:s16] =	ssyncset.done $0x0  }
0x3e: {  	s17 =	simm.s32 @!p1 $0x9D00;
	[sflag:s16] =	ssyncadd.s32 $0xFFFFB180  }
0x3f: {  	s0 =	simm.s32 @!p1 $0x80;
	s3 =	simm.s32 @!p1 $0x0;
	[bflag:$0x0] =	sbarrier.arrive $0xFFFF  }
0x40: {  	[tilespmem:s17], [sflag:$0x1] =	stream.indirect.gather @!p1 [spmem:s2], $0x20, s3, s0, $0xb8;
	[tilespmem:$0x15D00] =	vst v63  }
0x41: {  	s31 =	simm.s32 @!p1 $0x1;
	s3 =	simm.s32 @!p1 $0xAD00  }
0x42: {  	[tilespmem:s3], [sflag:$0x2] =	stream.indirect.gather @!p1 [spmem:s2], $0x20, s0, s0, $0xb8;
	[tilespmem:$0x15D00] =	vst v63  }
0x43: {  	_ =	swait.ge @!p1 [sflag:s31], $0x1000  }
0x44: {  	[sflag:s31] =	ssyncset.done @!p1 $0x0  }
0x45: {  	[sflag:s31] =	ssyncadd.s32 @!p1 $0xFFFFF000;
	s31 =	simm.s32 @!p1 $0x4E80  }
0x46: {  	[spmem:s1] =	stream.indirect.scatter.add.f32 @!p1 [tilespmem:s17], [sflag:$0x3], $0x20, s31, s0, $0xb8;
	[tilespmem:$0x15D00] =	vst v63  }
.Ltmp2:
0x47: {  	s17 =	simm.s32 @!p1 $0x2;
	(pc) =	sbr.rel @p2 .LBB2_5-.Ltmp2, $4  }
0x48: {  	_ =	swait.ge @!p1 [sflag:s17], $0x1000  }
0x49: {  	[sflag:s17] =	ssyncset.done @!p1 $0x0  }
0x4a: {  	[sflag:s17] =	ssyncadd.s32 @!p1 $0xFFFFF000;
	s17 =	simm.s32 @!p1 $0x4F00  }
0x4b: {  	[spmem:s1] =	stream.indirect.scatter.add.f32 @!p1 [tilespmem:s3], [sflag:$0x4], $0x20, s17, s0, $0xb8;
	[tilespmem:$0x15D00] =	vst v63  }
0x4c: {  	_ =	swait.ge [sflag:s18], $0x1000  }
0x4d: {  	[sflag:s18] =	ssyncset.done $0x0  }
0x4e: {  	s0 =	simm.s32 @!p1 $0x100;
	[sflag:s18] =	ssyncadd.s32 $0xFFFFF000  }
0x4f: {  	[tilespmem:s21], [sflag:$0x1] =	stream.indirect.gather [spmem:s2], $0x20, s0, s20, $0xb8;
	[tilespmem:$0x15D00] =	vst v63  }
0x50: {  	_ =	swait.ge [sflag:s19], $0x1000  }
0x51: {  	[sflag:s19] =	ssyncset.done $0x0  }
0x52: {  	s17 =	simm.s32 $0x180;
	[sflag:s19] =	ssyncadd.s32 $0xFFFFF000  }
0x53: {  	[tilespmem:s22], [sflag:$0x2] =	stream.indirect.gather [spmem:s2], $0x20, s17, s20, $0xb8;
	[tilespmem:$0x15D00] =	vst v63  }
0x54: {  	_ =	swait.ge [sflag:s8], $0x1000  }
0x55: {  	p4 =	sne.s32 s13, $0x1;
	[sflag:s8] =	ssyncset.done $0x0  }
.Ltmp3:
0x56: {  	s0 =	simm.s32 @!p1 $0x4F80;
	[sflag:s8] =	ssyncadd.s32 $0xFFFFF000;
	(pc) =	sbr.rel @!p4 .LBB2_4-.Ltmp3, $4  }
0x57: {  	[spmem:s1] =	stream.indirect.scatter.add.f32 [tilespmem:s21], [sflag:$0x3], $0x20, s0, s20, $0xb8;
	[tilespmem:$0x15D00] =	vst v63  }
0x58: {  	_ =	swait.ge [sflag:s23], $0x1000  }
0x59: {  	s31 =	sadd.s32 $0xFFFFFFFF, s13;
	s3 =	simm.s32 $0x5000;
	[sflag:s23] =	ssyncset.done $0x0  }
0x5a: {  	s17 =	simm.s32 $0x200;
	s0 =	simm.s32 $0x5080;
	[sflag:s23] =	ssyncadd.s32 $0xFFFFF000  }
.LBB2_3:
0x5b: {  	[spmem:s1] =	stream.indirect.scatter.add.f32 [tilespmem:s22], [sflag:$0x4], $0x20, s3, s20, $0xb8;
	[tilespmem:$0x15D00] =	vst v63  }
0x5c: {  	p4 =	sne.s32 s31, $0x1;
	s31 =	sadd.s32 $0xFFFFFFFF, s31;
	_ =	swait.ge [sflag:s18], $0x1000  }
0x5d: {  	s3 =	smov.u32 s0;
	[sflag:s18] =	ssyncset.done $0x0  }
0x5e: {  	[sflag:s18] =	ssyncadd.s32 $0xFFFFF000  }
0x5f: {  	[tilespmem:s21], [sflag:$0x1] =	stream.indirect.gather [spmem:s2], $0x20, s17, s20, $0xb8;
	[tilespmem:$0x15D00] =	vst v63  }
0x60: {  	_ =	swait.ge [sflag:s19], $0x1000  }
0x61: {  	[sflag:s19] =	ssyncset.done $0x0  }
0x62: {  	s4 =	sadd.s32 $0x80, s17;
	[sflag:s19] =	ssyncadd.s32 $0xFFFFF000  }
0x63: {  	[tilespmem:s22], [sflag:$0x2] =	stream.indirect.gather [spmem:s2], $0x20, s4, s20, $0xb8;
	[tilespmem:$0x15D00] =	vst v63  }
0x64: {  	_ =	swait.ge [sflag:s8], $0x1000  }
0x65: {  	[sflag:s8] =	ssyncset.done $0x0  }
.Ltmp4:
0x66: {  	[sflag:s8] =	ssyncadd.s32 $0xFFFFF000;
	(pc) =	sbr.rel @p4 .LBB2_3-.Ltmp4, $4  }
0x67: {  	[spmem:s1] =	stream.indirect.scatter.add.f32 [tilespmem:s21], [sflag:$0x3], $0x20, s0, s20, $0xb8;
	[tilespmem:$0x15D00] =	vst v63  }
0x68: {  	_ =	swait.ge [sflag:s23], $0x1000  }
0x69: {  	s0 =	sadd.s32 $0x100, s0;
	[sflag:s23] =	ssyncset.done $0x0  }
0x6a: {  	s3 =	sadd.s32 $0x80, s3;
	s17 =	sadd.s32 $0x100, s17;
	[sflag:s23] =	ssyncadd.s32 $0xFFFFF000  }
.Ltmp5:
0x6b: {  	_ = 	snop;
	(pc) =	sbr.rel .LBB2_4-.Ltmp5, $1  }
0x6c: {  	_ =	sdelay $0x3  }
.LBB2_6:
0x6d: {  	_ =	sfence.sel $0x180000  }
0x6e: {  	[bflag:$0x0] =	sbarrier.arrive $0xFFFF  }
0x6f: {  	_ =	strace $0x9000004D  }
0x70: {  	[bflag:$0x2] =	sbarrier.arrive $0xFFFF  }
0x71: {  	s0 =	rddreg [dreg:$0x3]  }
0x72: {  	s0 =	sadd.s32 @!p0 $0x100000, s0  }
0x73: {  	[sflag:s0] =	ssyncadd.tile.s32 @!p0 $0x1;
	_ =	shalt  }
.Lfunc_end2:
_tile_overlayer_lowered:
.L_overlay_start_2:
0x74: {  	(tag) =	ssettag $0x2  }
0x75: {  	s0 =	rddreg [dreg:$0x0];
	s2 =	stileid.u32  }
0x76: {  	s1 =	rddreg [dreg:$0x1];
	p0 =	sne.s32 s2, $0x0  }
0x77: {  	s3 =	rddreg [dreg:$0x2];
	[bflag:$0x3] =	sbarrier.arrive $0xFFFF;
	s2 =	simm.s32 @!p0 $0x1C05  }
0x78: {  	[timem:s3], [sflag:s2] =	dma.local @!p0 [hbm:s0], s1  }
0x79: {  	s0 =	simm.s32 @!p0 $0x5  }
0x7a: {  	_ =	swait.ge @!p0 [sflag:s0], s1  }
0x7b: {  	s1 =	ssub.s32 @!p0 $0x0, s1;
	[sflag:s0] =	ssyncset.done @!p0 $0x0  }
0x7c: {  	[sflag:s0] =	ssyncadd.s32 @!p0 s1  }
0x7d: {  	[bflag:$0x3] =	sbarrier.arrive $0xFFFF  }
0x7e: {  	_ =	shalt  }

// kernel: kernel.8.cloned.1.call-start
scs
__scs_entry_jumppad:
0x0: {  	(pc) =	sbr.rel $0x88, $3  }
0x1: {  	(tag) =	ssettag $0x0;
	lr =	simm.s32 $0x1  }
0x2: {  	[smem:$0x3F97] =	sst lr;
	_ =	strace $0xD0000000  }
0x3: {  	_ = 	snop  }
0x4: {  	_ = 	snop  }
0x5: {  	_ = 	snop  }
0x6: {  	_ = 	snop  }
0x7: {  	_ = 	snop  }
__scs_overlays_trampoline_lowered:
0x8: {  	[smem:$0x3FA6] =	sst s0  }
0x9: {  	[smem:$0x3FA7] =	sst s1  }
0xa: {  	[smem:$0x3FA8] =	sst s2  }
0xb: {  	[smem:$0x3FA9] =	sst s3  }
0xc: {  	[smem:$0x3FAA] =	sst s4  }
0xd: {  	[smem:$0x3FAB] =	sst s5  }
0xe: {  	[smem:$0x3FAC] =	sst s6  }
0xf: {  	[smem:$0x3FAD] =	sst s7  }
0x10: {  	[smem:$0x3FAE] =	sst s8  }
0x11: {  	[smem:$0x3FAF] =	sst s9;
	s0 =	simm.s32 @!p0 $0x0  }
0x12: {  	s1 =	sld [smem:$0x3F95];
	s0 =	simm.s32 @p0 $0x1  }
0x13: {  	[smem:$0x3FB0] =	sst s0;
	s0 =	simm.s32 @!p1 $0x0  }
0x14: {  	s2 =	sld [smem:$0x3F94];
	s0 =	simm.s32 @p1 $0x1  }
0x15: {  	[smem:$0x3FB1] =	sst s0;
	s0 =	simm.s32 @!p2 $0x0  }
0x16: {  	s3 =	sld [smem:$0x3FDB];
	s0 =	simm.s32 @p2 $0x1  }
0x17: {  	s4 =	simm.s32 $0x1BF5;
	[smem:$0x3FB3] =	sst s0  }
0x18: {  	s0 =	sld [smem:$0x3F96];
	_ =	swait.ge [sflag:s4], $0x0  }
0x19: {  	s7 =	sld [smem:$0x3F97]  }
0x1a: {  	s8 =	sadd.s32 $0xFFFFE003, lr  }
0x1b: {  	s9 =	sadd.s32 $0xFFFFFEF7, lr;
	s5 =	simm.s32 $0xFFFFFFFF;
	p2 =	slt.u32 s8, $0xFFFFF086  }
0x1c: {  	p1 =	slt.u32 s9, $0xF7A;
	s5 =	simm.s32 @!p2 $0x0  }
0x1d: {  	s5 =	simm.s32 @p1 $0x1;
	p0 =	seq.s32 s7, s2  }
0x1e: {  	s7 =	smul.u32 @!p0 $0xF7A, s2;
	p2 =	seq.s32 @!p0 s5, $0x0  }
0x1f: {  	s9 =	smul.u32 $0xF7A, s1;
	s8 =	simm.s32 @!p0 $0x1BF5;
	p2 =	por !p2, p0  }
0x20: {  	[sflag:s8] =	ssyncset.s32 @!p0 $0xFFFFF086;
	s6 =	sadd.s32 @!p0 s3, s7;
	s7 =	simm.s32 @!p0 $0x108  }
0x21: {  	s3 =	sadd.s32 s3, s9;
	s6 =	sadd.s32 @!p0 $0x88, s6;
	s7 =	simm.s32 @p2 $0x1082  }
0x22: {  	[simem:s7], [sflag:s8] =	dma.local @!p0 [hbm:s6], $0xF7A  }
0x23: {  	s9 =	sor.u32 $0xD0000000, s2;
	s6 =	simm.s32 $0x108;
	_ =	swait.ge @!p0 [sflag:s8], $0x0  }
0x24: {  	s3 =	sadd.s32 $0x88, s3;
	s6 =	simm.s32 @!p1 $0x1082;
	[sflag:s4] =	ssyncset.s32 $0xFFFFF086  }
0x25: {  	[simem:s6], [sflag:s4] =	dma.local [hbm:s3], $0xF7A  }
0x26: {  	[smem:$0x3F97] =	sst s1;
	(tag) =	ssettag s2;
	_ =	strace s9  }
0x27: {  	s1 =	sld [smem:$0x3FA7]  }
0x28: {  	s2 =	sld [smem:$0x3FA8]  }
0x29: {  	s4 =	sld [smem:$0x3FAA]  }
0x2a: {  	p0 =	seq.s32 s5, $0x0;
	s5 =	sld [smem:$0x3FAB]  }
0x2b: {  	s6 =	sld [smem:$0x3FAC]  }
0x2c: {  	s7 =	sld [smem:$0x3FAD]  }
0x2d: {  	s3 =	simm.s32 $0x108;
	s8 =	sld [smem:$0x3FAE]  }
0x2e: {  	s3 =	simm.s32 @!p0 $0x1082;
	s9 =	sld [smem:$0x3FAF]  }
0x2f: {  	lr =	sadd.s32 s0, s3;
	s0 =	sld [smem:$0x3FA6]  }
0x30: {  	s3 =	sld [smem:$0x3FA9]  }
0x31: {  	[smem:$0x3FB2] =	sst s10  }
0x32: {  	s10 =	sld [smem:$0x3FB0];
	_ =	sdelay $0x3  }
0x33: {  	p0 =	seq.s32 s10, $0x1;
	s10 =	sld [smem:$0x3FB2];
	_ =	sdelay $0x3  }
0x34: {  	[smem:$0x3FB2] =	sst s10  }
0x35: {  	s10 =	sld [smem:$0x3FB1];
	_ =	sdelay $0x3  }
0x36: {  	p1 =	seq.s32 s10, $0x1;
	s10 =	sld [smem:$0x3FB2];
	_ =	sdelay $0x3  }
0x37: {  	[smem:$0x3FB2] =	sst s10  }
0x38: {  	s10 =	sld [smem:$0x3FB3]  }
0x39: {  	_ = 	snop;
	(pc) =	sbr.ind lr, $3  }
0x3a: {  	_ = 	snop  }
0x3b: {  	_ = 	snop  }
0x3c: {  	p2 =	seq.s32 s10, $0x1;
	s10 =	sld [smem:$0x3FB2]  }
0x3d: {  	_ =	shalt  }
0x3e: {  	_ =	shalt  }
0x3f: {  	_ =	shalt  }
0x40: {  	_ =	shalt  }
0x41: {  	_ =	shalt  }
0x42: {  	_ =	shalt  }
0x43: {  	_ =	shalt  }
0x44: {  	_ =	shalt  }
0x45: {  	_ =	shalt  }
0x46: {  	_ =	shalt  }
0x47: {  	_ =	shalt  }
0x48: {  	_ =	shalt  }
0x49: {  	_ =	shalt  }
0x4a: {  	_ =	shalt  }
0x4b: {  	_ =	shalt  }
0x4c: {  	_ =	shalt  }
0x4d: {  	_ =	shalt  }
0x4e: {  	_ =	shalt  }
0x4f: {  	_ =	shalt  }
0x50: {  	_ =	shalt  }
0x51: {  	_ =	shalt  }
0x52: {  	_ =	shalt  }
0x53: {  	_ =	shalt  }
0x54: {  	_ =	shalt  }
0x55: {  	_ =	shalt  }
0x56: {  	_ =	shalt  }
0x57: {  	_ =	shalt  }
0x58: {  	_ =	shalt  }
0x59: {  	_ =	shalt  }
0x5a: {  	_ =	shalt  }
0x5b: {  	_ =	shalt  }
0x5c: {  	_ =	shalt  }
0x5d: {  	_ =	shalt  }
0x5e: {  	_ =	shalt  }
0x5f: {  	_ =	shalt  }
0x60: {  	_ =	shalt  }
0x61: {  	_ =	shalt  }
0x62: {  	_ =	shalt  }
0x63: {  	_ =	shalt  }
0x64: {  	_ =	shalt  }
0x65: {  	_ =	shalt  }
0x66: {  	_ =	shalt  }
0x67: {  	_ =	shalt  }
0x68: {  	_ =	shalt  }
0x69: {  	_ =	shalt  }
0x6a: {  	_ =	shalt  }
0x6b: {  	_ =	shalt  }
0x6c: {  	_ =	shalt  }
0x6d: {  	_ =	shalt  }
0x6e: {  	_ =	shalt  }
0x6f: {  	_ =	shalt  }
0x70: {  	_ =	shalt  }
0x71: {  	_ =	shalt  }
0x72: {  	_ =	shalt  }
0x73: {  	_ =	shalt  }
0x74: {  	_ =	shalt  }
0x75: {  	_ =	shalt  }
0x76: {  	_ =	shalt  }
0x77: {  	_ =	shalt  }
0x78: {  	_ =	shalt  }
0x79: {  	_ =	shalt  }
0x7a: {  	_ =	shalt  }
0x7b: {  	_ =	shalt  }
0x7c: {  	_ =	shalt  }
0x7d: {  	_ =	shalt  }
0x7e: {  	_ =	shalt  }
0x7f: {  	_ =	shalt  }
0x80: {  	_ =	shalt  }
0x81: {  	_ =	shalt  }
0x82: {  	_ =	shalt  }
0x83: {  	_ =	shalt  }
0x84: {  	_ =	shalt  }
0x85: {  	_ =	shalt  }
0x86: {  	_ =	shalt  }
0x87: {  	_ =	shalt  }
.Lfunc_end0:
.L_simem_size_0:
called_computation_lowered:
.L_overlay_start_0:
0x88: {  	s2 =	sld [smem:$0x3FD9]  }
0x89: {  	s3 =	sld [smem:$0x3FFE];
	_ =	sdelay $0x1  }
0x8a: {  	s1 =	srdreg.scid  }
0x8b: {  	s0 =	sand.u32 $0x1, s1  }
0x8c: {  	s16 =	sshll.u32 s0, $0xA;
	s2 =	sadd.s32 s3, s2  }
0x8d: {  	s2 =	sadd.s32 s2, s16  }
0x8e: {  	[smem:$0x3FBE] =	sst s2  }
0x8f: {  	_ = 	snop  }
0x90: {  	(tm) =	ssettm $0x1  }
0x91: {  	s17 =	sld [smem:$0x3FFB];
	_ =	sdelay $0x3  }
0x92: {  	_ =	strace s17  }
0x93: {  	s2 =	sld [smem:$0x3FFC];
	_ =	sdelay $0x3  }
0x94: {  	_ =	strace s2  }
0x95: {  	s2 =	sld [smem:$0x3FFD];
	_ =	sdelay $0x3  }
0x96: {  	_ =	strace s2  }
0x97: {  	_ =	strace $0x8FFFFFFF  }
0x98: {  	s18 =	sld [smem:$0x3FDB];
	_ =	sdelay $0x1  }
0x99: {  	s19 =	simm.s32 $_scs_section_size  }
0x9a: {  	s4 =	simm.s32 $_size__tile_overlayer_lowered;
	s5 =	simm.s32 $_tile_overlayer_lowered  }
0x9b: {  	s22 =	simm.s32 $0x1BFF;
	s21 =	sshll.u32 s5, $0x1;
	s2 =	sadd.s32 s19, s18  }
0x9c: {  	s6 =	simm.s32 $0x0;
	s20 =	sshll.u32 s4, $0x1;
	s4 =	sadd.s32 s21, s2  }
0x9d: {  	[timem:s6], [sflag:s22] =	dma.local [hbm:s4], s20  }
0x9e: {  	_ =	swait.ge [sflag:s22], s20  }
0x9f: {  	s3 =	ssub.s32 $0x0, s20;
	[sflag:s22] =	ssyncset.done $0x0  }
0xa0: {  	[sflag:s22] =	ssyncadd.s32 s3;
	_ =	sdelay $0x1  }
0xa1: {  	s23 =	simm.s32 $0x1B8B  }
0xa2: {  	_ =	swait.ge [sflag:s23], $0x1  }
0xa3: {  	[sflag:s23] =	ssyncset.done $0x0  }
0xa4: {  	s25 =	simm.s32 $0x1B8E;
	s24 =	sld [smem:$0x3FFE];
	[sflag:s23] =	ssyncadd.s32 $0xFFFFFFFF  }
0xa5: {  	s26 =	simm.s32 $execute0_lowered;
	[smem:$0x3FD2] =	sst s25  }
0xa6: {  	s4 =	sshll.u32 s26, $0x1;
	_ =	strace $0x80000046;
	[dreg:$0x1] =	wrdreg $0xFFFFFFFF  }
0xa7: {  	s28 =	simm.s32 $_size_execute0_lowered;
	s2 =	sadd.s32 s2, s4;
	[dreg:$0x0] =	wrdreg $0x0  }
0xa8: {  	s4 =	sshll.u32 s28, $0x1;
	[dreg:$0x2] =	wrdreg s2  }
0xa9: {  	[dreg:$0x3] =	wrdreg s4  }
0xaa: {  	[dreg:$0x4] =	wrdreg $0xC0  }
0xab: {  	_ =	task [dreg:s6], $0x5FFFF  }
0xac: {  	[dreg:$0x1] =	wrdreg $0xFFFFFFFF  }
0xad: {  	[dreg:$0x0] =	wrdreg $0x60  }
0xae: {  	[dreg:$0x2] =	wrdreg s24  }
0xaf: {  	[dreg:$0x3] =	wrdreg $0x57800  }
0xb0: {  	[dreg:$0x4] =	wrdreg $0x9  }
0xb1: {  	_ =	task.clear_ibuf [dreg:s6], $0x5FFFF;
	_ =	strace $0x90000046  }
0xb2: {  	s29 =	simm.s32 $0x9;
	_ =	strace $0x80000048  }
0xb3: {  	_ =	swait.ge [sflag:s29], $0x1  }
0xb4: {  	[sflag:s29] =	ssyncadd.s32 $0xFFFFFFFF  }
0xb5: {  	_ =	strace $0x90000048  }
0xb6: {  	_ =	sfence  }
0xb7: {  	s30 =	sld [smem:$0x0];
	_ =	sdelay $0x2  }
0xb8: {  	s31 =	sshll.u32 s1, $0xD;
	s1 =	sshrl.u32 s1, $0x2  }
0xb9: {  	s3 =	sand.u32 $0x4000, s31;
	s1 =	sadd.s32 s1, s30  }
0xba: {  	s0 =	sor.u32 s3, s0;
	s1 =	sshll.u32 s1, $0x11  }
0xbb: {  	s0 =	sor.u32 s1, s0  }
0xbc: {  	s0 =	sadd.s32 $0x8F2B, s0  }
0xbd: {  	[sflag:s0] =	ssyncadd.remote.s32 $0x1  }
0xbe: {  	_ =	sfence.sel $0xFFFF  }
0xbf: {  	[dreg:$0x0] =	wrdreg $0xFFFFFFFF;
	(pc) =	sbr.abs _section_cstart, $3  }
0xc0: {  	[dreg:$0x1] =	wrdreg $0xFFFFFFFF  }
0xc1: {  	_ =	task.clear_ibuf [dreg:s6], $0x2FFFF;
	_ =	strace $0x9FFFFFFF  }
0xc2: {  	(tm) =	ssettm $0x7FFFFFFF  }
0xc3: {  	_ =	shalt  }
tec
execute0_lowered:
.L_overlay_start_1:
0x0: {  	(tag) =	ssettag $0x1  }
0x1: {  	s7 =	rddreg [dreg:$0x0]  }
0x2: {  	s0 =	srdreg.scid;
	s2 =	rddreg [dreg:$0x1]  }
0x3: {  	s3 =	simm.s32 $0x0;
	s6 =	sand.u32 $0x1, s0;
	s0 =	stileid.u32  }
0x4: {  	[smem:$0x7FF] =	sst s3;
	s1 =	sshll.u32 s6, $0x4;
	s9 =	smul.u32 $0x2800, s0  }
0x5: {  	s10 =	smul.u32 $0x28000, s6;
	s6 =	ssub.s32 $0x2, s6;
	s4 =	sor.u32 s0, s1  }
0x6: {  	s1 =	rddreg [dreg:$0x2];
	s25 =	sshrl.u32 s6, $0x1;
	s4 =	smul.u32 $0x9C4, s4  }
0x7: {  	_ =	strace $0x80000047;
	s10 =	sadd.s32 s9, s10;
	s16 =	ssub.s32 s6, s25  }
0x8: {  	s6 =	sadd.s32 s9, s2;
	s8 =	sshrl.u32 s4, $0x5;
	s4 =	sadd.s32 $0x9C4, s4  }
0x9: {  	s9 =	simm.s32 $0x1;
	s10 =	sshrl.u32 s10, $0x3;
	s11 =	sshrl.u32 s4, $0x5  }
0xa: {  	s10 =	sadd.s32 s10, s7;
	s5 =	sshll.u32 s8, $0x4;
	s13 =	ssub.s32 s11, s8  }
0xb: {  	s4 =	sadd.s32 $0x16000, s7;
	s10 =	sadd.s32 $0x16800, s10;
	s14 =	sand.u32 $0x8000, s13  }
0xc: {  	s12 =	sadd.s32 s5, s7;
	s5 =	sadd.s32 $0x16600, s7;
	s14 =	sshrl.u32 s14, $0xF  }
0xd: {  	p0 =	sne.s32 s11, s8;
	s7 =	simm.s32 $0x1;
	s14 =	sadd.s32 s14, s13  }
0xe: {  	s8 =	simm.s32 $0x1;
	s11 =	smax.u32 s16, $0x1;
	s23 =	sand.u32 $0xFFFFFFFE, s14  }
0xf: {  	s24 =	sshra.s32 s13, $0x1F;
	s7 =	simm.s32 @!p0 $0x0;
	s15 =	ssub.s32 s13, s23  }
0x10: {  	s16 =	simm.s32 $0x2;
	s7 =	sor.u32 s7, s24;
	s26 =	sand.u32 $0xFFFF, s15  }
0x11: {  	s30 =	sshll.u32 s13, $0x9;
	p6 =	sne.s32 s7, $0x1;
	p1 =	sne.s32 s26, $0x0  }
0x12: {  	s31 =	sshra.s32 s30, $0x2;
	s7 =	sadd.s32 $0xC240, s12;
	p0 =	por !p1, !p6  }
0x13: {  	s28 =	sshll.u32 s14, $0x10;
	s14 =	simm.s32 $0x3;
	p0 =	por !p0, !p0  }
.Ltmp0:
0x14: {  	s29 =	sshra.s32 s28, $0x11;
	s9 =	simm.s32 @!p0 $0x0;
	(pc) =	sbr.rel .LBB2_1-.Ltmp0, $4  }
0x15: {  	s13 =	simm.s32 $0x2F80;
	s18 =	sand.u32 $0x1, s15;
	s17 =	ssub.s32 s29, s9  }
0x16: {  	s15 =	simm.s32 $0x2780;
	p2 =	seq.s32 s18, $0x0;
	p0 =	slt.s32 s17, $0x1  }
0x17: {  	s18 =	simm.s32 $0x0;
	s9 =	sadd.s32 $0xFFFFFF80, s31;
	p1 =	seq.s32 @!p0 s17, $0x1  }
0x18: {  	s12 =	sadd.s32 $0xFFFFFFFF, s17;
	s17 =	simm.s32 $0x80;
	p1 =	por p0, p1  }
.LBB2_4:
0x19: {  	[spmem:s2] =	stream.indirect.scatter.add.f32 [tilespmem:s15], [sflag:$0x2], $0x10, s19, s17, $0xb8;
	[tilespmem:$0x7F80] =	vst v63  }
.LBB2_5:
0x1a: {  	s19 =	simm.s32 @!p2 $0x1  }
0x1b: {  	_ =	swait.ge @!p2 [sflag:s19], $0x800  }
0x1c: {  	[sflag:s19] =	ssyncset.done @!p2 $0x0  }
0x1d: {  	s20 =	simm.s32 @!p2 $0x2780;
	[sflag:s19] =	ssyncadd.s32 @!p2 $0xFFFFF800;
	s19 =	simm.s32 @!p2 $0x80  }
0x1e: {  	[spmem:s2] =	stream.indirect.scatter.add.f32 @!p2 [tilespmem:s20], [sflag:$0x1], $0x10, s9, s19, $0xb8;
	[tilespmem:$0x7F80] =	vst v63  }
0x1f: {  	_ =	swait.ge [sflag:s8], $0x800  }
0x20: {  	[sflag:s8] =	ssyncset.done $0x0  }
0x21: {  	[sflag:s8] =	ssyncadd.s32 $0xFFFFF800  }
0x22: {  	_ =	swait.ge [sflag:s16], $0x800  }
0x23: {  	[sflag:s16] =	ssyncset.done $0x0  }
0x24: {  	[sflag:s16] =	ssyncadd.s32 $0xFFFFF800  }
0x25: {  	[bflag:$0x0] =	sbarrier.arrive $0xFFFF  }
0x26: {  	[tilespmem:s13], [sflag:$0x3] =	stream.linear.gather [spmem:s6], $0x2800, $0x38;
	[tilespmem:$0x7F80] =	vst v63  }
0x27: {  	s18 =	sadd.s32 $0x1, s18;
	_ =	swait.ge [sflag:s14], $0x2800  }
0x28: {  	p3 =	sne.s32 s18, s11;
	[sflag:s14] =	ssyncset.done $0x0  }
.Ltmp1:
0x29: {  	[sflag:s14] =	ssyncadd.s32 $0xFFFFD800;
	(pc) =	sbr.rel @!p3 .LBB2_6-.Ltmp1, $4  }
0x2a: {  	[hbm4b:s10+s3] =	stream.linear.scatter [tilespmem:s13], [sflag:$0x3], $0x2800, $0x38;
	[tilespmem:$0x7F80] =	vst v63  }
0x2b: {  	_ =	swait.ge [sflag:s14], $0x2800  }
0x2c: {  	[sflag:s14] =	ssyncset.done $0x0  }
0x2d: {  	[sflag:s14] =	ssyncadd.s32 $0xFFFFD800  }
.LBB2_1:
0x2e: {  	[tilespmem:s13], [sflag:$0x3] =	stream.linear.gather [hbm4b:s4+s3], $0x2800, $0x38;
	[tilespmem:$0x7F80] =	vst v63  }
0x2f: {  	_ =	swait.ge [sflag:s14], $0x2800  }
0x30: {  	[sflag:s14] =	ssyncset.done $0x0  }
0x31: {  	[sflag:s14] =	ssyncadd.s32 $0xFFFFD800  }
0x32: {  	[spmem:s6] =	stream.linear.scatter [tilespmem:s13], [sflag:$0x3], $0x2800, $0x38;
	[tilespmem:$0x7F80] =	vst v63  }
0x33: {  	_ =	swait.ge [sflag:s14], $0x2800  }
0x34: {  	[sflag:s14] =	ssyncset.done $0x0  }
0x35: {  	[sflag:s14] =	ssyncadd.s32 $0xFFFFD800  }
0x36: {  	[tilespmem:s15], [sflag:$0x3] =	stream.linear.gather [hbm4b:s5+s3], $0x800, $0x38;
	[tilespmem:$0x7F80] =	vst v63  }
0x37: {  	_ =	swait.ge [sflag:s14], $0x800  }
0x38: {  	[sflag:s14] =	ssyncset.done $0x0  }
0x39: {  	[sflag:s14] =	ssyncadd.s32 $0xFFFFF800  }
0x3a: {  	[tilespmem:s3], [sflag:$0x3] =	stream.linear.gather [hbm4b:s7+s3], $0x2780, $0x38;
	[tilespmem:$0x7F80] =	vst v63  }
0x3b: {  	_ =	swait.ge [sflag:s14], $0x2780  }
0x3c: {  	[sflag:s14] =	ssyncset.done $0x0  }
0x3d: {  	s19 =	simm.s32 @!p0 $0x80;
	s20 =	simm.s32 @!p0 $0x0;
	[sflag:s14] =	ssyncadd.s32 $0xFFFFD880  }
.Ltmp2:
0x3e: {  	s21 =	simm.s32 @!p0 $0x2780;
	[bflag:$0x0] =	sbarrier.arrive $0xFFFF;
	(pc) =	sbr.rel @p1 .LBB2_5-.Ltmp2, $4  }
0x3f: {  	[spmem:s2] =	stream.indirect.scatter.add.f32 @!p0 [tilespmem:s21], [sflag:$0x1], $0x10, s20, s19, $0xb8;
	[tilespmem:$0x7F80] =	vst v63  }
0x40: {  	_ = 	snop  }
0x41: {  	[spmem:s2] =	stream.indirect.scatter.add.f32 @!p0 [tilespmem:s21], [sflag:$0x2], $0x10, s19, s19, $0xb8;
	[tilespmem:$0x7F80] =	vst v63  }
0x42: {  	s19 =	simm.s32 @!p0 $0x180  }
0x43: {  	_ =	swait.ge [sflag:s8], $0x800  }
0x44: {  	p3 =	sne.s32 s12, $0x1;
	[sflag:s8] =	ssyncset.done $0x0  }
.Ltmp3:
0x45: {  	s20 =	simm.s32 $0x100;
	[sflag:s8] =	ssyncadd.s32 $0xFFFFF800;
	(pc) =	sbr.rel @!p3 .LBB2_4-.Ltmp3, $4  }
0x46: {  	[spmem:s2] =	stream.indirect.scatter.add.f32 [tilespmem:s15], [sflag:$0x1], $0x10, s20, s17, $0xb8;
	[tilespmem:$0x7F80] =	vst v63  }
0x47: {  	_ =	swait.ge [sflag:s16], $0x800  }
0x48: {  	[sflag:s16] =	ssyncset.done $0x0  }
0x49: {  	s21 =	simm.s32 $0x280;
	s20 =	sadd.s32 $0xFFFFFFFF, s12;
	[sflag:s16] =	ssyncadd.s32 $0xFFFFF800  }
.LBB2_3:
0x4a: {  	[spmem:s2] =	stream.indirect.scatter.add.f32 [tilespmem:s15], [sflag:$0x2], $0x10, s19, s17, $0xb8;
	[tilespmem:$0x7F80] =	vst v63  }
0x4b: {  	p3 =	sne.s32 s20, $0x1;
	s20 =	sadd.s32 $0xFFFFFFFF, s20;
	_ =	swait.ge [sflag:s8], $0x800  }
0x4c: {  	s19 =	smov.u32 s21;
	[sflag:s8] =	ssyncset.done $0x0  }
.Ltmp4:
0x4d: {  	s22 =	sadd.s32 $0xFFFFFF80, s21;
	[sflag:s8] =	ssyncadd.s32 $0xFFFFF800;
	(pc) =	sbr.rel @p3 .LBB2_3-.Ltmp4, $4  }
0x4e: {  	[spmem:s2] =	stream.indirect.scatter.add.f32 [tilespmem:s15], [sflag:$0x1], $0x10, s22, s17, $0xb8;
	[tilespmem:$0x7F80] =	vst v63  }
0x4f: {  	_ =	swait.ge [sflag:s16], $0x800  }
0x50: {  	[sflag:s16] =	ssyncset.done $0x0  }
0x51: {  	s21 =	sadd.s32 $0x100, s21;
	[sflag:s16] =	ssyncadd.s32 $0xFFFFF800  }
.Ltmp5:
0x52: {  	_ = 	snop;
	(pc) =	sbr.rel .LBB2_4-.Ltmp5, $1  }
0x53: {  	_ =	sdelay $0x3  }
.LBB2_6:
0x54: {  	_ =	sfence.sel $0x180000  }
0x55: {  	[bflag:$0x0] =	sbarrier.arrive $0xFFFF  }
0x56: {  	p0 =	sne.s32 s0, $0x0;
	_ =	strace $0x90000047  }
0x57: {  	s0 =	sadd.s32 @!p0 $0x100000, s1;
	[bflag:$0x2] =	sbarrier.arrive $0xFFFF  }
0x58: {  	[sflag:s0] =	ssyncadd.tile.s32 @!p0 $0x1;
	_ =	shalt  }
.Lfunc_end2:
_tile_overlayer_lowered:
.L_overlay_start_2:
0x59: {  	(tag) =	ssettag $0x2  }
0x5a: {  	s0 =	rddreg [dreg:$0x0];
	s2 =	stileid.u32  }
0x5b: {  	s1 =	rddreg [dreg:$0x1];
	p0 =	sne.s32 s2, $0x0  }
0x5c: {  	s3 =	rddreg [dreg:$0x2];
	[bflag:$0x3] =	sbarrier.arrive $0xFFFF;
	s2 =	simm.s32 @!p0 $0x1C03  }
0x5d: {  	[timem:s3], [sflag:s2] =	dma.local @!p0 [hbm:s0], s1  }
0x5e: {  	s0 =	simm.s32 @!p0 $0x3  }
0x5f: {  	_ =	swait.ge @!p0 [sflag:s0], s1  }
0x60: {  	s1 =	ssub.s32 @!p0 $0x0, s1;
	[sflag:s0] =	ssyncset.done @!p0 $0x0  }
0x61: {  	[sflag:s0] =	ssyncadd.s32 @!p0 s1  }
0x62: {  	[bflag:$0x3] =	sbarrier.arrive $0xFFFF  }
0x63: {  	_ =	shalt  }

</sc_bundles>
